<compile_context>
chip_gen: v7x
topology: tpu7x:2x2x1
jax: 0.10.2.dev20260603
libtpu: 0.0.44.dev20260713+nightly
codegen_flags: <defaults>
</compile_context>

<pallas_src>
import functools

import jax
import jax.numpy as jnp
from jax import lax
from jax.experimental import pallas as pl
from jax.experimental.pallas import tpu as pltpu
from jax.experimental.pallas import tpu_sc as plsc

B = 1024
O = 50
QL = 200
SL = O + 1 + QL
H = 128
E = 64
QV = 100000
NPOS = 251
NT = 4
NC = 8
NS = 3
NM = 2
NZ = 2
NP = 3
NSC = 128



_REP = 8


def _prep_body(P_ref, T_ref, pos_ref, typ_ref, augt_ref, cidx_ref, mask_ref,
               objm_ref):
    f32 = jnp.float32
    a2 = (P_ref[...][:, None, :] + T_ref[...][None, :, :]).reshape(NPOS * NT, H)
    augt_ref[...] = jnp.broadcast_to(a2[None], (_REP, NPOS * NT, H))
    typ = typ_ref[...]
    tok = (lax.broadcasted_iota(jnp.int32, (B, QL), 0) * QL
           + lax.broadcasted_iota(jnp.int32, (B, QL), 1))
    rep = lax.rem(tok // (B * QL // 32), _REP)
    cidx_ref[...] = (pos_ref[...][:, O + 1:] * NT + typ[:, O + 1:]
                     + rep * (NPOS * NT))
    mask_ref[...] = jnp.where(typ >= 1, 0.0, -10000.0).astype(f32)
    objm_ref[...] = (typ == 1).astype(f32)


@functools.lru_cache(maxsize=1)
def _make_prep():
    return pl.pallas_call(
        _prep_body,
        out_shape=[
            jax.ShapeDtypeStruct((_REP, NPOS * NT, H), jnp.float32),
            jax.ShapeDtypeStruct((B, QL), jnp.int32),
            jax.ShapeDtypeStruct((B, SL), jnp.float32),
            jax.ShapeDtypeStruct((B, SL), jnp.float32),
        ],
    )


_NW = 32
_TOK = B * QL
_PWT = _TOK // _NW
_CH = 128
_NFULL = _PWT // _CH


@functools.lru_cache(maxsize=1)
def _make_build():
    mesh = plsc.VectorSubcoreMesh(core_axis_name="c", subcore_axis_name="s")

    @functools.partial(
        pl.kernel,
        mesh=mesh,
        out_type=jax.ShapeDtypeStruct((_TOK, H), jnp.float32),
        scratch_types=[
            pltpu.VMEM((_PWT,), jnp.int32),
            pltpu.VMEM((_PWT,), jnp.int32),
            pltpu.VMEM((_CH, H), jnp.float32),
            pltpu.VMEM((_CH, H), jnp.float32),
            pltpu.VMEM((_CH, H), jnp.float32),
            pltpu.VMEM((_CH, H), jnp.float32),
            pltpu.VMEM((_CH, H), jnp.float32),
            pltpu.VMEM((_CH, H), jnp.float32),
            pltpu.SemaphoreType.DMA,
            pltpu.SemaphoreType.DMA,
            pltpu.SemaphoreType.DMA,
            pltpu.SemaphoreType.DMA,
            pltpu.SemaphoreType.DMA,
            pltpu.SemaphoreType.DMA,
        ],
    )
    def build(augt_hbm, qtab_hbm, cidx_hbm, qidx_hbm, out_hbm, cidx_v, qidx_v,
              bufa0, bufb0, bufo0, bufa1, bufb1, bufo1,
              sema0, semb0, semo0, sema1, semb1, semo1):
        wid = lax.axis_index("s") * 2 + lax.axis_index("c")
        base = wid * _PWT
        pltpu.sync_copy(cidx_hbm.at[pl.ds(base, _PWT)], cidx_v)
        pltpu.sync_copy(qidx_hbm.at[pl.ds(base, _PWT)], qidx_v)

        sets = ((bufa0, bufb0, bufo0, sema0, semb0, semo0),
                (bufa1, bufb1, bufo1, sema1, semb1, semo1))

        def issue(c, bufa, bufb, sema, semb):
            pltpu.async_copy(
                augt_hbm.at[cidx_v.at[pl.ds(c * _CH, _CH)]], bufa, sema)
            pltpu.async_copy(
                qtab_hbm.at[qidx_v.at[pl.ds(c * _CH, _CH)]], bufb, semb)

        def vadd3(dst, a, b):
            def row(rr, carry):
                for cc in range(H // 16):
                    sl = pl.ds(cc * 16, 16)
                    dst[rr, sl] = a[rr, sl] + b[rr, sl]
                return carry
            lax.fori_loop(0, _CH, row, 0)

        issue(0, bufa0, bufb0, sema0, semb0)
        issue(1, bufa1, bufb1, sema1, semb1)

        def body(j, carry):
            for s, (ba, bb, bo, sa, sb, so) in enumerate(sets):
                c = 2 * j + s
                pltpu.make_async_copy(
                    augt_hbm.at[pl.ds(0, _CH)], ba, sa).wait()
                pltpu.make_async_copy(
                    augt_hbm.at[pl.ds(0, _CH)], bb, sb).wait()

                @pl.when(j > 0)
                def _():
                    pltpu.make_async_copy(
                        bo, out_hbm.at[pl.ds(base, _CH)], so).wait()

                vadd3(bo, ba, bb)
                pltpu.async_copy(bo, out_hbm.at[pl.ds(base + c * _CH, _CH)],
                                 so)

                @pl.when(j < _NFULL // 2 - 1)
                def _():
                    pltpu.async_copy(
                        augt_hbm.at[cidx_v.at[pl.ds((c + 2) * _CH, _CH)]],
                        ba, sa)
                    pltpu.async_copy(
                        qtab_hbm.at[qidx_v.at[pl.ds((c + 2) * _CH, _CH)]],
                        bb, sb)
            return carry

        lax.fori_loop(0, _NFULL // 2, body, 0)
        pltpu.make_async_copy(bufo0, out_hbm.at[pl.ds(base, _CH)],
                              semo0).wait()
        pltpu.make_async_copy(bufo1, out_hbm.at[pl.ds(base, _CH)],
                              semo1).wait()

    return build


_BB = 32
_NB = B // _BB


def _tc_body(preq_ref, pos_ref, typ_ref, pt_ref, opos_ref, ocol_ref, osha_ref,
             omat_ref, osiz_ref, scene_ref, C_ref, SH_ref, M_ref, SZ_ref,
             Wp_ref, bp_ref, Ws_ref, bs_ref, Wr_ref, br_ref, gamma_ref,
             beta_ref, emb_ref):
    f32 = jnp.float32
    wr = Wr_ref[...]
    c_w = jnp.dot(C_ref[...], wr[E:2 * E], preferred_element_type=f32)
    sh_w = jnp.dot(SH_ref[...], wr[2 * E:3 * E], preferred_element_type=f32)
    m_w = jnp.dot(M_ref[...], wr[3 * E:4 * E], preferred_element_type=f32)
    sz_w = jnp.dot(SZ_ref[...], wr[4 * E:5 * E], preferred_element_type=f32)
    wp_w = jnp.dot(Wp_ref[...], wr[0:E], preferred_element_type=f32)
    const_row = (jnp.dot(bp_ref[...], wr[0:E], preferred_element_type=f32)
                 + br_ref[...])
    w18 = jnp.concatenate([c_w, sh_w, m_w, sz_w, wp_w], axis=0)

    cols = lax.broadcasted_iota(jnp.int32, (_BB, O, NC + NS + NM + NZ), 2)
    oh = (((ocol_ref[...][:, :, None]) == cols)
          | ((osha_ref[...][:, :, None] + NC) == cols)
          | ((omat_ref[...][:, :, None] + NC + NS) == cols)
          | ((osiz_ref[...][:, :, None] + NC + NS + NM) == cols)).astype(f32)
    feat = jnp.concatenate([oh, opos_ref[...]], axis=2)
    ore = jnp.dot(feat.reshape(_BB * O, NC + NS + NM + NZ + NP), w18,
                  preferred_element_type=f32).reshape(_BB, O, H)
    ore = ore + const_row[0][None, None, :]

    scene = scene_ref[...].reshape(_BB, NSC)
    ss = jnp.dot(scene, Ws_ref[...], preferred_element_type=f32) + bs_ref[...]

    posh = pos_ref[...][:, :O + 1]
    typh = typ_ref[...][:, :O + 1]
    colsh = lax.broadcasted_iota(jnp.int32, (_BB, O + 1, NPOS + NT), 2)
    ohh = ((posh[:, :, None] == colsh)
           | ((typh[:, :, None] + NPOS) == colsh)).astype(f32)
    aug_h = jnp.dot(ohh.reshape(_BB * (O + 1), NPOS + NT), pt_ref[...],
                    preferred_element_type=f32).reshape(_BB, O + 1, H)

    head = aug_h + jnp.concatenate([ore, ss[:, None, :]], axis=1)
    x = jnp.concatenate([head, preq_ref[...]], axis=1)

    mu = jnp.mean(x, axis=-1, keepdims=True)
    d = x - mu
    var = jnp.mean(d * d, axis=-1, keepdims=True)
    g = gamma_ref[...][0][None, None, :]
    bb = beta_ref[...][0][None, None, :]
    emb_ref[...] = d * lax.rsqrt(var + 1e-12) * g + bb


@functools.lru_cache(maxsize=1)
def _make_tc():
    bspec = pl.BlockSpec
    in_specs = [
        bspec((_BB, QL, H), lambda i: (i, 0, 0)),
        bspec((_BB, SL), lambda i: (i, 0)),
        bspec((_BB, SL), lambda i: (i, 0)),
        bspec((NPOS + NT, H), lambda i: (0, 0)),
        bspec((_BB, O, NP), lambda i: (i, 0, 0)),
        bspec((_BB, O), lambda i: (i, 0)),
        bspec((_BB, O), lambda i: (i, 0)),
        bspec((_BB, O), lambda i: (i, 0)),
        bspec((_BB, O), lambda i: (i, 0)),
        bspec((_BB, 1, NSC), lambda i: (i, 0, 0)),
        bspec((NC, E), lambda i: (0, 0)),
        bspec((NS, E), lambda i: (0, 0)),
        bspec((NM, E), lambda i: (0, 0)),
        bspec((NZ, E), lambda i: (0, 0)),
        bspec((NP, E), lambda i: (0, 0)),
        bspec((1, E), lambda i: (0, 0)),
        bspec((NSC, H), lambda i: (0, 0)),
        bspec((1, H), lambda i: (0, 0)),
        bspec((5 * E, H), lambda i: (0, 0)),
        bspec((1, H), lambda i: (0, 0)),
        bspec((1, H), lambda i: (0, 0)),
        bspec((1, H), lambda i: (0, 0)),
    ]
    out_specs = [bspec((_BB, SL, H), lambda i: (i, 0, 0))]
    out_shape = [jax.ShapeDtypeStruct((B, SL, H), jnp.float32)]
    return pl.pallas_call(
        _tc_body,
        grid=(_NB,),
        in_specs=in_specs,
        out_specs=out_specs,
        out_shape=out_shape,
    )


def kernel(positions, types, object_positions, object_colors, object_shapes,
           object_materials, object_sizes, scene_state, questions, Q_table,
           P_table, T_table, C_table, SH_table, M_table, SZ_table, Wp, bp,
           Ws, bs, Wr, br, gamma, beta):
    augt, cidxq, mask2d, objm = _make_prep()(P_table, T_table, positions,
                                             types)
    qg = _make_build()(augt.reshape(_REP * NPOS * NT, H), Q_table,
                       cidxq.reshape(_TOK), questions.reshape(_TOK))
    pt = jnp.concatenate([P_table, T_table], axis=0)
    (emb,) = _make_tc()(
        qg.reshape(B, QL, H), positions, types, pt, object_positions,
        object_colors, object_shapes, object_materials, object_sizes,
        scene_state, C_table, SH_table, M_table, SZ_table, Wp,
        bp.reshape(1, E), Ws, bs.reshape(1, H), Wr, br.reshape(1, H),
        gamma.reshape(1, H), beta.reshape(1, H))
    return emb, mask2d.reshape(B, 1, 1, SL), objm

# --- scband reference (transcript-rebuilt; emitter-appended) ---
"""Pipeline reference for scband-multi-modal-embedder-63144609186321 (READ-ONLY COPY).

The authoritative reference and input builder live on the scoring server;
editing this copy changes nothing except your own understanding.
"""

import jax, jax.numpy as jnp
import numpy as np

B = 1024; O = 50; QL = 200; SL = O + 1 + QL; H = 128; E = 64
QV = 100000; NPOS = 251; NT = 4; NC = 8; NS = 3; NM = 2; NZ = 2; NP = 3; NSC = 128


def _layernorm(x, g, b):
    mu = jnp.mean(x, axis=-1, keepdims=True)
    var = jnp.mean((x - mu) ** 2, axis=-1, keepdims=True)
    return (x - mu) / jnp.sqrt(var + 1e-12) * g + b


def setup_inputs(seed: int = 0) -> dict:
    key = jax.random.key(seed)
    ks = jax.random.split(key, 24)
    inp = {}
    inp["positions"] = jax.random.randint(ks[0], (B, SL), 0, NPOS)
    inp["types"] = jax.random.randint(ks[1], (B, SL), 0, NT)
    inp["object_positions"] = jax.random.normal(ks[2], (B, O, NP), jnp.float32)
    inp["object_colors"] = jax.random.randint(ks[3], (B, O), 0, NC)
    inp["object_shapes"] = jax.random.randint(ks[4], (B, O), 0, NS)
    inp["object_materials"] = jax.random.randint(ks[5], (B, O), 0, NM)
    inp["object_sizes"] = jax.random.randint(ks[6], (B, O), 0, NZ)
    inp["scene_state"] = jax.random.normal(ks[7], (B, 1, NSC), jnp.float32)
    inp["questions"] = jax.random.randint(ks[8], (B, QL), 0, QV)
    inp["Q_table"] = (jax.random.normal(ks[9], (QV, H), jnp.float32) * 0.02).at[0].set(0.0)
    inp["P_table"] = jax.random.normal(ks[10], (NPOS, H), jnp.float32) * 0.02
    inp["T_table"] = (jax.random.normal(ks[11], (NT, H), jnp.float32) * 0.02).at[0].set(0.0)
    inp["C_table"] = jax.random.normal(ks[12], (NC, E), jnp.float32) * 0.02
    inp["SH_table"] = jax.random.normal(ks[13], (NS, E), jnp.float32) * 0.02
    inp["M_table"] = jax.random.normal(ks[14], (NM, E), jnp.float32) * 0.02
    inp["SZ_table"] = jax.random.normal(ks[15], (NZ, E), jnp.float32) * 0.02
    inp["Wp"] = jax.random.normal(ks[16], (NP, E), jnp.float32) * (1.0 / np.sqrt(NP))
    inp["bp"] = jnp.zeros((E,), jnp.float32)
    inp["Ws"] = jax.random.normal(ks[17], (NSC, H), jnp.float32) * (1.0 / np.sqrt(NSC))
    inp["bs"] = jnp.zeros((H,), jnp.float32)
    inp["Wr"] = jax.random.normal(ks[18], (5 * E, H), jnp.float32) * (1.0 / np.sqrt(5 * E))
    inp["br"] = jnp.zeros((H,), jnp.float32)
    inp["gamma"] = jnp.ones((H,), jnp.float32)
    inp["beta"] = jnp.zeros((H,), jnp.float32)
    return inp


def reference(positions, types, object_positions, object_colors, object_shapes, object_materials, object_sizes, scene_state, questions, Q_table, P_table, T_table, C_table, SH_table, M_table, SZ_table, Wp, bp, Ws, bs, Wr, br, gamma, beta):
    pos_emb = jnp.take(P_table, positions, axis=0)
    type_emb = jnp.take(T_table, types, axis=0)
    q_emb = jnp.take(Q_table, questions, axis=0)
    mask = (types >= 1).astype(jnp.float32)[:, None, None, :]
    mask = (1.0 - mask) * -10000.0
    object_mask = (types == 1).astype(jnp.float32)
    op_proj = object_positions @ Wp + bp
    ss_proj = scene_state @ Ws + bs
    oc_proj = jnp.take(C_table, object_colors, axis=0)
    os_proj = jnp.take(SH_table, object_shapes, axis=0)
    om_proj = jnp.take(M_table, object_materials, axis=0)
    oz_proj = jnp.take(SZ_table, object_sizes, axis=0)
    ore_in = jnp.concatenate([op_proj, oc_proj, os_proj, om_proj, oz_proj], axis=2)
    ore = ore_in @ Wr + br
    pre = jnp.concatenate([ore, ss_proj, q_emb], axis=1)
    aug = pos_emb + type_emb
    emb = _layernorm(pre + aug, gamma, beta)
    return (emb, mask, object_mask)

if __name__ == "__main__":
    import jax
    _d = setup_inputs()
    print(jax.jit(kernel)(*tuple(_d.values())))

</pallas_src>

<mosaic_0001>
#map = affine_map<(d0, d1) -> (0, 0)>
#map1 = affine_map<(d0, d1) -> (0)>
module attributes {stable_mosaic.version = 14 : i64} {
  func.func @build(%arg0: i32, %arg1: i32, %arg2: memref<8032x128xf32, #tpu.memory_space<hbm>>, %arg3: memref<100000x128xf32, #tpu.memory_space<hbm>>, %arg4: memref<204800xi32, #tpu.memory_space<hbm>>, %arg5: memref<204800xi32, #tpu.memory_space<hbm>>, %arg6: memref<204800x128xf32, #tpu.memory_space<hbm>>, %arg7: memref<6400xi32, #tpu.memory_space<vmem>>, %arg8: memref<6400xi32, #tpu.memory_space<vmem>>, %arg9: memref<128x128xf32, #tpu.memory_space<vmem>>, %arg10: memref<128x128xf32, #tpu.memory_space<vmem>>, %arg11: memref<128x128xf32, #tpu.memory_space<vmem>>, %arg12: memref<128x128xf32, #tpu.memory_space<vmem>>, %arg13: memref<128x128xf32, #tpu.memory_space<vmem>>, %arg14: memref<128x128xf32, #tpu.memory_space<vmem>>, %arg15: memref<!tpu.dma_semaphore, #tpu.memory_space<semaphore_mem>>, %arg16: memref<!tpu.dma_semaphore, #tpu.memory_space<semaphore_mem>>, %arg17: memref<!tpu.dma_semaphore, #tpu.memory_space<semaphore_mem>>, %arg18: memref<!tpu.dma_semaphore, #tpu.memory_space<semaphore_mem>>, %arg19: memref<!tpu.dma_semaphore, #tpu.memory_space<semaphore_mem>>, %arg20: memref<!tpu.dma_semaphore, #tpu.memory_space<semaphore_mem>>) attributes {dimension_semantics = [#tpu.dimension_semantics<core_parallel>, #tpu.dimension_semantics<subcore_parallel>], iteration_bounds = array<i64: 2, 16>, scalar_prefetch = 0 : i64, scratch_operands = 14 : i64, tpu.core_type = #tpu.core_type<sc_vector_subcore>, window_params = [{transform_indices = #map}, {transform_indices = #map}, {transform_indices = #map1}, {transform_indices = #map1}, {transform_indices = #map}]} {
    %mul3A = arith.constant 2 : i32
    %mul3A_0 = arith.muli %arg1, %mul3A : i32
    %add3A = arith.addi %mul3A_0, %arg0 : i32
    %mul3A_1 = arith.constant 6400 : i32
    %mul3A_2 = arith.muli %add3A, %mul3A_1 : i32
    "tpu.region"() ({
      %run_scoped3A = tpu.sem_alloc : memref<!tpu.dma_semaphore, #tpu.memory_space<semaphore_mem>>
      %dma_start3A_34 = tpu.memref_slice %arg4[%mul3A_2] : memref<204800xi32, #tpu.memory_space<hbm>> -> memref<6400xi32, #tpu.memory_space<hbm>>
      %dma_start3A_35 = tpu.memref_slice %arg4[%mul3A_2] : memref<204800xi32, #tpu.memory_space<hbm>> -> memref<6400xi32, #tpu.memory_space<hbm>>
      tpu.enqueue_dma source(%dma_start3A_35 : memref<6400xi32, #tpu.memory_space<hbm>>) target(%arg7 : memref<6400xi32, #tpu.memory_space<vmem>>) target_semaphore(%run_scoped3A : memref<!tpu.dma_semaphore, #tpu.memory_space<semaphore_mem>>)
      %dma_wait3A_36 = tpu.memref_slice %arg4[%mul3A_2] : memref<204800xi32, #tpu.memory_space<hbm>> -> memref<6400xi32, #tpu.memory_space<hbm>>
      %dma_wait3A_37 = tpu.memref_slice %arg4[%mul3A_2] : memref<204800xi32, #tpu.memory_space<hbm>> -> memref<6400xi32, #tpu.memory_space<hbm>>
      tpu.wait_dma2 semaphore(%run_scoped3A : memref<!tpu.dma_semaphore, #tpu.memory_space<semaphore_mem>>) src(%dma_wait3A_37 : memref<6400xi32, #tpu.memory_space<hbm>>) dst(%arg7 : memref<6400xi32, #tpu.memory_space<vmem>>)
      tpu.yield
    }) : () -> ()
    "tpu.region"() ({
      %run_scoped3A = tpu.sem_alloc : memref<!tpu.dma_semaphore, #tpu.memory_space<semaphore_mem>>
      %dma_start3A_34 = tpu.memref_slice %arg5[%mul3A_2] : memref<204800xi32, #tpu.memory_space<hbm>> -> memref<6400xi32, #tpu.memory_space<hbm>>
      %dma_start3A_35 = tpu.memref_slice %arg5[%mul3A_2] : memref<204800xi32, #tpu.memory_space<hbm>> -> memref<6400xi32, #tpu.memory_space<hbm>>
      tpu.enqueue_dma source(%dma_start3A_35 : memref<6400xi32, #tpu.memory_space<hbm>>) target(%arg8 : memref<6400xi32, #tpu.memory_space<vmem>>) target_semaphore(%run_scoped3A : memref<!tpu.dma_semaphore, #tpu.memory_space<semaphore_mem>>)
      %dma_wait3A_36 = tpu.memref_slice %arg5[%mul3A_2] : memref<204800xi32, #tpu.memory_space<hbm>> -> memref<6400xi32, #tpu.memory_space<hbm>>
      %dma_wait3A_37 = tpu.memref_slice %arg5[%mul3A_2] : memref<204800xi32, #tpu.memory_space<hbm>> -> memref<6400xi32, #tpu.memory_space<hbm>>
      tpu.wait_dma2 semaphore(%run_scoped3A : memref<!tpu.dma_semaphore, #tpu.memory_space<semaphore_mem>>) src(%dma_wait3A_37 : memref<6400xi32, #tpu.memory_space<hbm>>) dst(%arg8 : memref<6400xi32, #tpu.memory_space<vmem>>)
      tpu.yield
    }) : () -> ()
    %dma_start3A = arith.constant 0 : i32
    %dma_start3A_3 = tpu.memref_slice %arg7[%dma_start3A] : memref<6400xi32, #tpu.memory_space<vmem>> -> memref<128xi32, #tpu.memory_space<vmem>>
    %dma_start3A_4 = arith.constant 0 : i32
    %dma_start3A_5 = arith.constant 0 : i32
    %dma_start3A_6 = tpu.memref_slice %arg2[%dma_start3A_4, %dma_start3A_5] : memref<8032x128xf32, #tpu.memory_space<hbm>> -> memref<8032x128xf32, #tpu.memory_space<hbm>>
    tpu.enqueue_indirect_dma source(%dma_start3A_6 : memref<8032x128xf32, #tpu.memory_space<hbm>>) target(%arg9 : memref<128x128xf32, #tpu.memory_space<vmem>>) offsets(%dma_start3A_3 : memref<128xi32, #tpu.memory_space<vmem>>) semaphore(%arg15 : memref<!tpu.dma_semaphore, #tpu.memory_space<semaphore_mem>>)
    %dma_start3A_7 = arith.constant 0 : i32
    %dma_start3A_8 = tpu.memref_slice %arg8[%dma_start3A_7] : memref<6400xi32, #tpu.memory_space<vmem>> -> memref<128xi32, #tpu.memory_space<vmem>>
    %dma_start3A_9 = arith.constant 0 : i32
    %dma_start3A_10 = arith.constant 0 : i32
    %dma_start3A_11 = tpu.memref_slice %arg3[%dma_start3A_9, %dma_start3A_10] : memref<100000x128xf32, #tpu.memory_space<hbm>> -> memref<100000x128xf32, #tpu.memory_space<hbm>>
    tpu.enqueue_indirect_dma source(%dma_start3A_11 : memref<100000x128xf32, #tpu.memory_space<hbm>>) target(%arg10 : memref<128x128xf32, #tpu.memory_space<vmem>>) offsets(%dma_start3A_8 : memref<128xi32, #tpu.memory_space<vmem>>) semaphore(%arg16 : memref<!tpu.dma_semaphore, #tpu.memory_space<semaphore_mem>>)
    %dma_start3A_12 = arith.constant 128 : i32
    %dma_start3A_13 = tpu.memref_slice %arg7[%dma_start3A_12] : memref<6400xi32, #tpu.memory_space<vmem>> -> memref<128xi32, #tpu.memory_space<vmem>>
    %dma_start3A_14 = arith.constant 0 : i32
    %dma_start3A_15 = arith.constant 0 : i32
    %dma_start3A_16 = tpu.memref_slice %arg2[%dma_start3A_14, %dma_start3A_15] : memref<8032x128xf32, #tpu.memory_space<hbm>> -> memref<8032x128xf32, #tpu.memory_space<hbm>>
    tpu.enqueue_indirect_dma source(%dma_start3A_16 : memref<8032x128xf32, #tpu.memory_space<hbm>>) target(%arg12 : memref<128x128xf32, #tpu.memory_space<vmem>>) offsets(%dma_start3A_13 : memref<128xi32, #tpu.memory_space<vmem>>) semaphore(%arg18 : memref<!tpu.dma_semaphore, #tpu.memory_space<semaphore_mem>>)
    %dma_start3A_17 = arith.constant 128 : i32
    %dma_start3A_18 = tpu.memref_slice %arg8[%dma_start3A_17] : memref<6400xi32, #tpu.memory_space<vmem>> -> memref<128xi32, #tpu.memory_space<vmem>>
    %dma_start3A_19 = arith.constant 0 : i32
    %dma_start3A_20 = arith.constant 0 : i32
    %dma_start3A_21 = tpu.memref_slice %arg3[%dma_start3A_19, %dma_start3A_20] : memref<100000x128xf32, #tpu.memory_space<hbm>> -> memref<100000x128xf32, #tpu.memory_space<hbm>>
    tpu.enqueue_indirect_dma source(%dma_start3A_21 : memref<100000x128xf32, #tpu.memory_space<hbm>>) target(%arg13 : memref<128x128xf32, #tpu.memory_space<vmem>>) offsets(%dma_start3A_18 : memref<128xi32, #tpu.memory_space<vmem>>) semaphore(%arg19 : memref<!tpu.dma_semaphore, #tpu.memory_space<semaphore_mem>>)
    %scan3A = arith.constant 0 : i32
    %scan3A_22 = arith.constant 0 : i32
    %scan3A_23 = arith.constant 25 : i32
    %scan3A_24 = arith.addi %scan3A_22, %scan3A_23 : i32
    %scan3A_25 = arith.constant 1 : i32
    scf.for %scan3A_34 = %scan3A_22 to %scan3A_24 step %scan3A_25  : i32 {
      %mul3A_35 = arith.constant 2 : i32
      %mul3A_36 = arith.muli %mul3A_35, %scan3A_34 : i32
      %add3A_37 = arith.constant 0 : i32
      %add3A_38 = arith.addi %mul3A_36, %add3A_37 : i32
      %dma_wait3A_39 = arith.constant 0 : i32
      %dma_wait3A_40 = arith.constant 0 : i32
      %dma_wait3A_41 = tpu.memref_slice %arg2[%dma_wait3A_39, %dma_wait3A_40] : memref<8032x128xf32, #tpu.memory_space<hbm>> -> memref<128x128xf32, #tpu.memory_space<hbm>>
      %dma_wait3A_42 = arith.constant 0 : i32
      %dma_wait3A_43 = arith.constant 0 : i32
      %dma_wait3A_44 = tpu.memref_slice %arg2[%dma_wait3A_42, %dma_wait3A_43] : memref<8032x128xf32, #tpu.memory_space<hbm>> -> memref<128x128xf32, #tpu.memory_space<hbm>>
      tpu.wait_dma2 semaphore(%arg15 : memref<!tpu.dma_semaphore, #tpu.memory_space<semaphore_mem>>) src(%dma_wait3A_44 : memref<128x128xf32, #tpu.memory_space<hbm>>) dst(%arg9 : memref<128x128xf32, #tpu.memory_space<vmem>>)
      %dma_wait3A_45 = arith.constant 0 : i32
      %dma_wait3A_46 = arith.constant 0 : i32
      %dma_wait3A_47 = tpu.memref_slice %arg2[%dma_wait3A_45, %dma_wait3A_46] : memref<8032x128xf32, #tpu.memory_space<hbm>> -> memref<128x128xf32, #tpu.memory_space<hbm>>
      %dma_wait3A_48 = arith.constant 0 : i32
      %dma_wait3A_49 = arith.constant 0 : i32
      %dma_wait3A_50 = tpu.memref_slice %arg2[%dma_wait3A_48, %dma_wait3A_49] : memref<8032x128xf32, #tpu.memory_space<hbm>> -> memref<128x128xf32, #tpu.memory_space<hbm>>
      tpu.wait_dma2 semaphore(%arg16 : memref<!tpu.dma_semaphore, #tpu.memory_space<semaphore_mem>>) src(%dma_wait3A_50 : memref<128x128xf32, #tpu.memory_space<hbm>>) dst(%arg10 : memref<128x128xf32, #tpu.memory_space<vmem>>)
      %gt3A = arith.constant 0 : i32
      %gt3A_51 = arith.cmpi sgt, %scan3A_34, %gt3A : i32
      %convert_element_type3A = arith.extui %gt3A_51 : i1 to i32
      %cond3A = arith.constant 0 : i32
      %cond3A_52 = arith.cmpi ne, %convert_element_type3A, %cond3A : i32
      scf.if %cond3A_52 {
        %dma_wait3A_109 = arith.constant 0 : i32
        %dma_wait3A_110 = tpu.memref_slice %arg6[%mul3A_2, %dma_wait3A_109] : memref<204800x128xf32, #tpu.memory_space<hbm>> -> memref<128x128xf32, #tpu.memory_space<hbm>>
        %dma_wait3A_111 = arith.constant 0 : i32
        %dma_wait3A_112 = tpu.memref_slice %arg6[%mul3A_2, %dma_wait3A_111] : memref<204800x128xf32, #tpu.memory_space<hbm>> -> memref<128x128xf32, #tpu.memory_space<hbm>>
        tpu.wait_dma2 semaphore(%arg17 : memref<!tpu.dma_semaphore, #tpu.memory_space<semaphore_mem>>) src(%arg11 : memref<128x128xf32, #tpu.memory_space<vmem>>) dst(%dma_wait3A_112 : memref<128x128xf32, #tpu.memory_space<hbm>>)
      } else {
      }
      %scan3A_53 = arith.constant 0 : i32
      %scan3A_54 = arith.constant 0 : i32
      %scan3A_55 = arith.constant 128 : i32
      %scan3A_56 = arith.addi %scan3A_54, %scan3A_55 : i32
      %scan3A_57 = arith.constant 1 : i32
      scf.for %scan3A_109 = %scan3A_54 to %scan3A_56 step %scan3A_57  : i32 {
        %get3A = arith.index_cast %scan3A_109 : i32 to index
        %get3A_110 = arith.constant 0 : index
        %get3A_111 = tpu.vector_load %arg9[%get3A, %get3A_110] {strides = array<i32>} : memref<128x128xf32, #tpu.memory_space<vmem>>, vector<1x16xf32>,
        %get3A_112 = vector.shape_cast %get3A_111 : vector<1x16xf32> to vector<16xf32>
        %get3A_113 = arith.index_cast %scan3A_109 : i32 to index
        %get3A_114 = arith.constant 0 : index
        %get3A_115 = tpu.vector_load %arg10[%get3A_113, %get3A_114] {strides = array<i32>} : memref<128x128xf32, #tpu.memory_space<vmem>>, vector<1x16xf32>,
        %get3A_116 = vector.shape_cast %get3A_115 : vector<1x16xf32> to vector<16xf32>
        %add3A_117 = arith.addf %get3A_112, %get3A_116 : vector<16xf32>
        %swap3A = arith.index_cast %scan3A_109 : i32 to index
        %swap3A_118 = arith.constant 0 : index
        %swap3A_119 = tpu.vector_load %arg11[%swap3A, %swap3A_118] {strides = array<i32>} : memref<128x128xf32, #tpu.memory_space<vmem>>, vector<1x16xf32>,
        %swap3A_120 = vector.shape_cast %swap3A_119 : vector<1x16xf32> to vector<16xf32>
        %swap3A_121 = vector.shape_cast %add3A_117 : vector<16xf32> to vector<1x16xf32>
        tpu.vector_store %arg11[%swap3A, %swap3A_118], %swap3A_121 {strides = array<i32>} : memref<128x128xf32, #tpu.memory_space<vmem>>, vector<1x16xf32>,
        %get3A_122 = arith.index_cast %scan3A_109 : i32 to index
        %get3A_123 = arith.constant 16 : index
        %get3A_124 = tpu.vector_load %arg9[%get3A_122, %get3A_123] {strides = array<i32>} : memref<128x128xf32, #tpu.memory_space<vmem>>, vector<1x16xf32>,
        %get3A_125 = vector.shape_cast %get3A_124 : vector<1x16xf32> to vector<16xf32>
        %get3A_126 = arith.index_cast %scan3A_109 : i32 to index
        %get3A_127 = arith.constant 16 : index
        %get3A_128 = tpu.vector_load %arg10[%get3A_126, %get3A_127] {strides = array<i32>} : memref<128x128xf32, #tpu.memory_space<vmem>>, vector<1x16xf32>,
        %get3A_129 = vector.shape_cast %get3A_128 : vector<1x16xf32> to vector<16xf32>
        %add3A_130 = arith.addf %get3A_125, %get3A_129 : vector<16xf32>
        %swap3A_131 = arith.index_cast %scan3A_109 : i32 to index
        %swap3A_132 = arith.constant 16 : index
        %swap3A_133 = tpu.vector_load %arg11[%swap3A_131, %swap3A_132] {strides = array<i32>} : memref<128x128xf32, #tpu.memory_space<vmem>>, vector<1x16xf32>,
        %swap3A_134 = vector.shape_cast %swap3A_133 : vector<1x16xf32> to vector<16xf32>
        %swap3A_135 = vector.shape_cast %add3A_130 : vector<16xf32> to vector<1x16xf32>
        tpu.vector_store %arg11[%swap3A_131, %swap3A_132], %swap3A_135 {strides = array<i32>} : memref<128x128xf32, #tpu.memory_space<vmem>>, vector<1x16xf32>,
        %get3A_136 = arith.index_cast %scan3A_109 : i32 to index
        %get3A_137 = arith.constant 32 : index
        %get3A_138 = tpu.vector_load %arg9[%get3A_136, %get3A_137] {strides = array<i32>} : memref<128x128xf32, #tpu.memory_space<vmem>>, vector<1x16xf32>,
        %get3A_139 = vector.shape_cast %get3A_138 : vector<1x16xf32> to vector<16xf32>
        %get3A_140 = arith.index_cast %scan3A_109 : i32 to index
        %get3A_141 = arith.constant 32 : index
        %get3A_142 = tpu.vector_load %arg10[%get3A_140, %get3A_141] {strides = array<i32>} : memref<128x128xf32, #tpu.memory_space<vmem>>, vector<1x16xf32>,
        %get3A_143 = vector.shape_cast %get3A_142 : vector<1x16xf32> to vector<16xf32>
        %add3A_144 = arith.addf %get3A_139, %get3A_143 : vector<16xf32>
        %swap3A_145 = arith.index_cast %scan3A_109 : i32 to index
        %swap3A_146 = arith.constant 32 : index
        %swap3A_147 = tpu.vector_load %arg11[%swap3A_145, %swap3A_146] {strides = array<i32>} : memref<128x128xf32, #tpu.memory_space<vmem>>, vector<1x16xf32>,
        %swap3A_148 = vector.shape_cast %swap3A_147 : vector<1x16xf32> to vector<16xf32>
        %swap3A_149 = vector.shape_cast %add3A_144 : vector<16xf32> to vector<1x16xf32>
        tpu.vector_store %arg11[%swap3A_145, %swap3A_146], %swap3A_149 {strides = array<i32>} : memref<128x128xf32, #tpu.memory_space<vmem>>, vector<1x16xf32>,
        %get3A_150 = arith.index_cast %scan3A_109 : i32 to index
        %get3A_151 = arith.constant 48 : index
        %get3A_152 = tpu.vector_load %arg9[%get3A_150, %get3A_151] {strides = array<i32>} : memref<128x128xf32, #tpu.memory_space<vmem>>, vector<1x16xf32>,
        %get3A_153 = vector.shape_cast %get3A_152 : vector<1x16xf32> to vector<16xf32>
        %get3A_154 = arith.index_cast %scan3A_109 : i32 to index
        %get3A_155 = arith.constant 48 : index
        %get3A_156 = tpu.vector_load %arg10[%get3A_154, %get3A_155] {strides = array<i32>} : memref<128x128xf32, #tpu.memory_space<vmem>>, vector<1x16xf32>,
        %get3A_157 = vector.shape_cast %get3A_156 : vector<1x16xf32> to vector<16xf32>
        %add3A_158 = arith.addf %get3A_153, %get3A_157 : vector<16xf32>
        %swap3A_159 = arith.index_cast %scan3A_109 : i32 to index
        %swap3A_160 = arith.constant 48 : index
        %swap3A_161 = tpu.vector_load %arg11[%swap3A_159, %swap3A_160] {strides = array<i32>} : memref<128x128xf32, #tpu.memory_space<vmem>>, vector<1x16xf32>,
        %swap3A_162 = vector.shape_cast %swap3A_161 : vector<1x16xf32> to vector<16xf32>
        %swap3A_163 = vector.shape_cast %add3A_158 : vector<16xf32> to vector<1x16xf32>
        tpu.vector_store %arg11[%swap3A_159, %swap3A_160], %swap3A_163 {strides = array<i32>} : memref<128x128xf32, #tpu.memory_space<vmem>>, vector<1x16xf32>,
        %get3A_164 = arith.index_cast %scan3A_109 : i32 to index
        %get3A_165 = arith.constant 64 : index
        %get3A_166 = tpu.vector_load %arg9[%get3A_164, %get3A_165] {strides = array<i32>} : memref<128x128xf32, #tpu.memory_space<vmem>>, vector<1x16xf32>,
        %get3A_167 = vector.shape_cast %get3A_166 : vector<1x16xf32> to vector<16xf32>
        %get3A_168 = arith.index_cast %scan3A_109 : i32 to index
        %get3A_169 = arith.constant 64 : index
        %get3A_170 = tpu.vector_load %arg10[%get3A_168, %get3A_169] {strides = array<i32>} : memref<128x128xf32, #tpu.memory_space<vmem>>, vector<1x16xf32>,
        %get3A_171 = vector.shape_cast %get3A_170 : vector<1x16xf32> to vector<16xf32>
        %add3A_172 = arith.addf %get3A_167, %get3A_171 : vector<16xf32>
        %swap3A_173 = arith.index_cast %scan3A_109 : i32 to index
        %swap3A_174 = arith.constant 64 : index
        %swap3A_175 = tpu.vector_load %arg11[%swap3A_173, %swap3A_174] {strides = array<i32>} : memref<128x128xf32, #tpu.memory_space<vmem>>, vector<1x16xf32>,
        %swap3A_176 = vector.shape_cast %swap3A_175 : vector<1x16xf32> to vector<16xf32>
        %swap3A_177 = vector.shape_cast %add3A_172 : vector<16xf32> to vector<1x16xf32>
        tpu.vector_store %arg11[%swap3A_173, %swap3A_174], %swap3A_177 {strides = array<i32>} : memref<128x128xf32, #tpu.memory_space<vmem>>, vector<1x16xf32>,
        %get3A_178 = arith.index_cast %scan3A_109 : i32 to index
        %get3A_179 = arith.constant 80 : index
        %get3A_180 = tpu.vector_load %arg9[%get3A_178, %get3A_179] {strides = array<i32>} : memref<128x128xf32, #tpu.memory_space<vmem>>, vector<1x16xf32>,
        %get3A_181 = vector.shape_cast %get3A_180 : vector<1x16xf32> to vector<16xf32>
        %get3A_182 = arith.index_cast %scan3A_109 : i32 to index
        %get3A_183 = arith.constant 80 : index
        %get3A_184 = tpu.vector_load %arg10[%get3A_182, %get3A_183] {strides = array<i32>} : memref<128x128xf32, #tpu.memory_space<vmem>>, vector<1x16xf32>,
        %get3A_185 = vector.shape_cast %get3A_184 : vector<1x16xf32> to vector<16xf32>
        %add3A_186 = arith.addf %get3A_181, %get3A_185 : vector<16xf32>
        %swap3A_187 = arith.index_cast %scan3A_109 : i32 to index
        %swap3A_188 = arith.constant 80 : index
        %swap3A_189 = tpu.vector_load %arg11[%swap3A_187, %swap3A_188] {strides = array<i32>} : memref<128x128xf32, #tpu.memory_space<vmem>>, vector<1x16xf32>,
        %swap3A_190 = vector.shape_cast %swap3A_189 : vector<1x16xf32> to vector<16xf32>
        %swap3A_191 = vector.shape_cast %add3A_186 : vector<16xf32> to vector<1x16xf32>
        tpu.vector_store %arg11[%swap3A_187, %swap3A_188], %swap3A_191 {strides = array<i32>} : memref<128x128xf32, #tpu.memory_space<vmem>>, vector<1x16xf32>,
        %get3A_192 = arith.index_cast %scan3A_109 : i32 to index
        %get3A_193 = arith.constant 96 : index
        %get3A_194 = tpu.vector_load %arg9[%get3A_192, %get3A_193] {strides = array<i32>} : memref<128x128xf32, #tpu.memory_space<vmem>>, vector<1x16xf32>,
        %get3A_195 = vector.shape_cast %get3A_194 : vector<1x16xf32> to vector<16xf32>
        %get3A_196 = arith.index_cast %scan3A_109 : i32 to index
        %get3A_197 = arith.constant 96 : index
        %get3A_198 = tpu.vector_load %arg10[%get3A_196, %get3A_197] {strides = array<i32>} : memref<128x128xf32, #tpu.memory_space<vmem>>, vector<1x16xf32>,
        %get3A_199 = vector.shape_cast %get3A_198 : vector<1x16xf32> to vector<16xf32>
        %add3A_200 = arith.addf %get3A_195, %get3A_199 : vector<16xf32>
        %swap3A_201 = arith.index_cast %scan3A_109 : i32 to index
        %swap3A_202 = arith.constant 96 : index
        %swap3A_203 = tpu.vector_load %arg11[%swap3A_201, %swap3A_202] {strides = array<i32>} : memref<128x128xf32, #tpu.memory_space<vmem>>, vector<1x16xf32>,
        %swap3A_204 = vector.shape_cast %swap3A_203 : vector<1x16xf32> to vector<16xf32>
        %swap3A_205 = vector.shape_cast %add3A_200 : vector<16xf32> to vector<1x16xf32>
        tpu.vector_store %arg11[%swap3A_201, %swap3A_202], %swap3A_205 {strides = array<i32>} : memref<128x128xf32, #tpu.memory_space<vmem>>, vector<1x16xf32>,
        %get3A_206 = arith.index_cast %scan3A_109 : i32 to index
        %get3A_207 = arith.constant 112 : index
        %get3A_208 = tpu.vector_load %arg9[%get3A_206, %get3A_207] {strides = array<i32>} : memref<128x128xf32, #tpu.memory_space<vmem>>, vector<1x16xf32>,
        %get3A_209 = vector.shape_cast %get3A_208 : vector<1x16xf32> to vector<16xf32>
        %get3A_210 = arith.index_cast %scan3A_109 : i32 to index
        %get3A_211 = arith.constant 112 : index
        %get3A_212 = tpu.vector_load %arg10[%get3A_210, %get3A_211] {strides = array<i32>} : memref<128x128xf32, #tpu.memory_space<vmem>>, vector<1x16xf32>,
        %get3A_213 = vector.shape_cast %get3A_212 : vector<1x16xf32> to vector<16xf32>
        %add3A_214 = arith.addf %get3A_209, %get3A_213 : vector<16xf32>
        %swap3A_215 = arith.index_cast %scan3A_109 : i32 to index
        %swap3A_216 = arith.constant 112 : index
        %swap3A_217 = tpu.vector_load %arg11[%swap3A_215, %swap3A_216] {strides = array<i32>} : memref<128x128xf32, #tpu.memory_space<vmem>>, vector<1x16xf32>,
        %swap3A_218 = vector.shape_cast %swap3A_217 : vector<1x16xf32> to vector<16xf32>
        %swap3A_219 = vector.shape_cast %add3A_214 : vector<16xf32> to vector<1x16xf32>
        tpu.vector_store %arg11[%swap3A_215, %swap3A_216], %swap3A_219 {strides = array<i32>} : memref<128x128xf32, #tpu.memory_space<vmem>>, vector<1x16xf32>,
      }
      %scan3A_58 = arith.constant 128 : i32
      %mul3A_59 = arith.constant 128 : i32
      %mul3A_60 = arith.muli %add3A_38, %mul3A_59 : i32
      %add3A_61 = arith.addi %mul3A_2, %mul3A_60 : i32
      %dma_start3A_62 = arith.constant 0 : i32
      %dma_start3A_63 = tpu.memref_slice %arg6[%add3A_61, %dma_start3A_62] : memref<204800x128xf32, #tpu.memory_space<hbm>> -> memref<128x128xf32, #tpu.memory_space<hbm>>
      %dma_start3A_64 = arith.constant 0 : i32
      %dma_start3A_65 = tpu.memref_slice %arg6[%add3A_61, %dma_start3A_64] : memref<204800x128xf32, #tpu.memory_space<hbm>> -> memref<128x128xf32, #tpu.memory_space<hbm>>
      tpu.enqueue_dma source(%arg11 : memref<128x128xf32, #tpu.memory_space<vmem>>) target(%dma_start3A_65 : memref<128x128xf32, #tpu.memory_space<hbm>>) target_semaphore(%arg17 : memref<!tpu.dma_semaphore, #tpu.memory_space<semaphore_mem>>)
      %lt3A = arith.constant 24 : i32
      %lt3A_66 = arith.cmpi slt, %scan3A_34, %lt3A : i32
      %convert_element_type3A_67 = arith.extui %lt3A_66 : i1 to i32
      %cond3A_68 = arith.constant 0 : i32
      %cond3A_69 = arith.cmpi ne, %convert_element_type3A_67, %cond3A_68 : i32
      scf.if %cond3A_69 {
        %add3A_109 = arith.constant 2 : i32
        %add3A_110 = arith.addi %add3A_38, %add3A_109 : i32
        %mul3A_111 = arith.constant 128 : i32
        %mul3A_112 = arith.muli %add3A_110, %mul3A_111 : i32
        %dma_start3A_113 = tpu.memref_slice %arg7[%mul3A_112] : memref<6400xi32, #tpu.memory_space<vmem>> -> memref<128xi32, #tpu.memory_space<vmem>>
        %dma_start3A_114 = arith.constant 0 : i32
        %dma_start3A_115 = arith.constant 0 : i32
        %dma_start3A_116 = tpu.memref_slice %arg2[%dma_start3A_114, %dma_start3A_115] : memref<8032x128xf32, #tpu.memory_space<hbm>> -> memref<8032x128xf32, #tpu.memory_space<hbm>>
        tpu.enqueue_indirect_dma source(%dma_start3A_116 : memref<8032x128xf32, #tpu.memory_space<hbm>>) target(%arg9 : memref<128x128xf32, #tpu.memory_space<vmem>>) offsets(%dma_start3A_113 : memref<128xi32, #tpu.memory_space<vmem>>) semaphore(%arg15 : memref<!tpu.dma_semaphore, #tpu.memory_space<semaphore_mem>>)
        %add3A_117 = arith.constant 2 : i32
        %add3A_118 = arith.addi %add3A_38, %add3A_117 : i32
        %mul3A_119 = arith.constant 128 : i32
        %mul3A_120 = arith.muli %add3A_118, %mul3A_119 : i32
        %dma_start3A_121 = tpu.memref_slice %arg8[%mul3A_120] : memref<6400xi32, #tpu.memory_space<vmem>> -> memref<128xi32, #tpu.memory_space<vmem>>
        %dma_start3A_122 = arith.constant 0 : i32
        %dma_start3A_123 = arith.constant 0 : i32
        %dma_start3A_124 = tpu.memref_slice %arg3[%dma_start3A_122, %dma_start3A_123] : memref<100000x128xf32, #tpu.memory_space<hbm>> -> memref<100000x128xf32, #tpu.memory_space<hbm>>
        tpu.enqueue_indirect_dma source(%dma_start3A_124 : memref<100000x128xf32, #tpu.memory_space<hbm>>) target(%arg10 : memref<128x128xf32, #tpu.memory_space<vmem>>) offsets(%dma_start3A_121 : memref<128xi32, #tpu.memory_space<vmem>>) semaphore(%arg16 : memref<!tpu.dma_semaphore, #tpu.memory_space<semaphore_mem>>)
      } else {
      }
      %mul3A_70 = arith.constant 2 : i32
      %mul3A_71 = arith.muli %mul3A_70, %scan3A_34 : i32
      %add3A_72 = arith.constant 1 : i32
      %add3A_73 = arith.addi %mul3A_71, %add3A_72 : i32
      %dma_wait3A_74 = arith.constant 0 : i32
      %dma_wait3A_75 = arith.constant 0 : i32
      %dma_wait3A_76 = tpu.memref_slice %arg2[%dma_wait3A_74, %dma_wait3A_75] : memref<8032x128xf32, #tpu.memory_space<hbm>> -> memref<128x128xf32, #tpu.memory_space<hbm>>
      %dma_wait3A_77 = arith.constant 0 : i32
      %dma_wait3A_78 = arith.constant 0 : i32
      %dma_wait3A_79 = tpu.memref_slice %arg2[%dma_wait3A_77, %dma_wait3A_78] : memref<8032x128xf32, #tpu.memory_space<hbm>> -> memref<128x128xf32, #tpu.memory_space<hbm>>
      tpu.wait_dma2 semaphore(%arg18 : memref<!tpu.dma_semaphore, #tpu.memory_space<semaphore_mem>>) src(%dma_wait3A_79 : memref<128x128xf32, #tpu.memory_space<hbm>>) dst(%arg12 : memref<128x128xf32, #tpu.memory_space<vmem>>)
      %dma_wait3A_80 = arith.constant 0 : i32
      %dma_wait3A_81 = arith.constant 0 : i32
      %dma_wait3A_82 = tpu.memref_slice %arg2[%dma_wait3A_80, %dma_wait3A_81] : memref<8032x128xf32, #tpu.memory_space<hbm>> -> memref<128x128xf32, #tpu.memory_space<hbm>>
      %dma_wait3A_83 = arith.constant 0 : i32
      %dma_wait3A_84 = arith.constant 0 : i32
      %dma_wait3A_85 = tpu.memref_slice %arg2[%dma_wait3A_83, %dma_wait3A_84] : memref<8032x128xf32, #tpu.memory_space<hbm>> -> memref<128x128xf32, #tpu.memory_space<hbm>>
      tpu.wait_dma2 semaphore(%arg19 : memref<!tpu.dma_semaphore, #tpu.memory_space<semaphore_mem>>) src(%dma_wait3A_85 : memref<128x128xf32, #tpu.memory_space<hbm>>) dst(%arg13 : memref<128x128xf32, #tpu.memory_space<vmem>>)
      %gt3A_86 = arith.constant 0 : i32
      %gt3A_87 = arith.cmpi sgt, %scan3A_34, %gt3A_86 : i32
      %convert_element_type3A_88 = arith.extui %gt3A_87 : i1 to i32
      %cond3A_89 = arith.constant 0 : i32
      %cond3A_90 = arith.cmpi ne, %convert_element_type3A_88, %cond3A_89 : i32
      scf.if %cond3A_90 {
        %dma_wait3A_109 = arith.constant 0 : i32
        %dma_wait3A_110 = tpu.memref_slice %arg6[%mul3A_2, %dma_wait3A_109] : memref<204800x128xf32, #tpu.memory_space<hbm>> -> memref<128x128xf32, #tpu.memory_space<hbm>>
        %dma_wait3A_111 = arith.constant 0 : i32
        %dma_wait3A_112 = tpu.memref_slice %arg6[%mul3A_2, %dma_wait3A_111] : memref<204800x128xf32, #tpu.memory_space<hbm>> -> memref<128x128xf32, #tpu.memory_space<hbm>>
        tpu.wait_dma2 semaphore(%arg20 : memref<!tpu.dma_semaphore, #tpu.memory_space<semaphore_mem>>) src(%arg14 : memref<128x128xf32, #tpu.memory_space<vmem>>) dst(%dma_wait3A_112 : memref<128x128xf32, #tpu.memory_space<hbm>>)
      } else {
      }
      %scan3A_91 = arith.constant 0 : i32
      %scan3A_92 = arith.constant 0 : i32
      %scan3A_93 = arith.constant 128 : i32
      %scan3A_94 = arith.addi %scan3A_92, %scan3A_93 : i32
      %scan3A_95 = arith.constant 1 : i32
      scf.for %scan3A_109 = %scan3A_92 to %scan3A_94 step %scan3A_95  : i32 {
        %get3A = arith.index_cast %scan3A_109 : i32 to index
        %get3A_110 = arith.constant 0 : index
        %get3A_111 = tpu.vector_load %arg12[%get3A, %get3A_110] {strides = array<i32>} : memref<128x128xf32, #tpu.memory_space<vmem>>, vector<1x16xf32>,
        %get3A_112 = vector.shape_cast %get3A_111 : vector<1x16xf32> to vector<16xf32>
        %get3A_113 = arith.index_cast %scan3A_109 : i32 to index
        %get3A_114 = arith.constant 0 : index
        %get3A_115 = tpu.vector_load %arg13[%get3A_113, %get3A_114] {strides = array<i32>} : memref<128x128xf32, #tpu.memory_space<vmem>>, vector<1x16xf32>,
        %get3A_116 = vector.shape_cast %get3A_115 : vector<1x16xf32> to vector<16xf32>
        %add3A_117 = arith.addf %get3A_112, %get3A_116 : vector<16xf32>
        %swap3A = arith.index_cast %scan3A_109 : i32 to index
        %swap3A_118 = arith.constant 0 : index
        %swap3A_119 = tpu.vector_load %arg14[%swap3A, %swap3A_118] {strides = array<i32>} : memref<128x128xf32, #tpu.memory_space<vmem>>, vector<1x16xf32>,
        %swap3A_120 = vector.shape_cast %swap3A_119 : vector<1x16xf32> to vector<16xf32>
        %swap3A_121 = vector.shape_cast %add3A_117 : vector<16xf32> to vector<1x16xf32>
        tpu.vector_store %arg14[%swap3A, %swap3A_118], %swap3A_121 {strides = array<i32>} : memref<128x128xf32, #tpu.memory_space<vmem>>, vector<1x16xf32>,
        %get3A_122 = arith.index_cast %scan3A_109 : i32 to index
        %get3A_123 = arith.constant 16 : index
        %get3A_124 = tpu.vector_load %arg12[%get3A_122, %get3A_123] {strides = array<i32>} : memref<128x128xf32, #tpu.memory_space<vmem>>, vector<1x16xf32>,
        %get3A_125 = vector.shape_cast %get3A_124 : vector<1x16xf32> to vector<16xf32>
        %get3A_126 = arith.index_cast %scan3A_109 : i32 to index
        %get3A_127 = arith.constant 16 : index
        %get3A_128 = tpu.vector_load %arg13[%get3A_126, %get3A_127] {strides = array<i32>} : memref<128x128xf32, #tpu.memory_space<vmem>>, vector<1x16xf32>,
        %get3A_129 = vector.shape_cast %get3A_128 : vector<1x16xf32> to vector<16xf32>
        %add3A_130 = arith.addf %get3A_125, %get3A_129 : vector<16xf32>
        %swap3A_131 = arith.index_cast %scan3A_109 : i32 to index
        %swap3A_132 = arith.constant 16 : index
        %swap3A_133 = tpu.vector_load %arg14[%swap3A_131, %swap3A_132] {strides = array<i32>} : memref<128x128xf32, #tpu.memory_space<vmem>>, vector<1x16xf32>,
        %swap3A_134 = vector.shape_cast %swap3A_133 : vector<1x16xf32> to vector<16xf32>
        %swap3A_135 = vector.shape_cast %add3A_130 : vector<16xf32> to vector<1x16xf32>
        tpu.vector_store %arg14[%swap3A_131, %swap3A_132], %swap3A_135 {strides = array<i32>} : memref<128x128xf32, #tpu.memory_space<vmem>>, vector<1x16xf32>,
        %get3A_136 = arith.index_cast %scan3A_109 : i32 to index
        %get3A_137 = arith.constant 32 : index
        %get3A_138 = tpu.vector_load %arg12[%get3A_136, %get3A_137] {strides = array<i32>} : memref<128x128xf32, #tpu.memory_space<vmem>>, vector<1x16xf32>,
        %get3A_139 = vector.shape_cast %get3A_138 : vector<1x16xf32> to vector<16xf32>
        %get3A_140 = arith.index_cast %scan3A_109 : i32 to index
        %get3A_141 = arith.constant 32 : index
        %get3A_142 = tpu.vector_load %arg13[%get3A_140, %get3A_141] {strides = array<i32>} : memref<128x128xf32, #tpu.memory_space<vmem>>, vector<1x16xf32>,
        %get3A_143 = vector.shape_cast %get3A_142 : vector<1x16xf32> to vector<16xf32>
        %add3A_144 = arith.addf %get3A_139, %get3A_143 : vector<16xf32>
        %swap3A_145 = arith.index_cast %scan3A_109 : i32 to index
        %swap3A_146 = arith.constant 32 : index
        %swap3A_147 = tpu.vector_load %arg14[%swap3A_145, %swap3A_146] {strides = array<i32>} : memref<128x128xf32, #tpu.memory_space<vmem>>, vector<1x16xf32>,
        %swap3A_148 = vector.shape_cast %swap3A_147 : vector<1x16xf32> to vector<16xf32>
        %swap3A_149 = vector.shape_cast %add3A_144 : vector<16xf32> to vector<1x16xf32>
        tpu.vector_store %arg14[%swap3A_145, %swap3A_146], %swap3A_149 {strides = array<i32>} : memref<128x128xf32, #tpu.memory_space<vmem>>, vector<1x16xf32>,
        %get3A_150 = arith.index_cast %scan3A_109 : i32 to index
        %get3A_151 = arith.constant 48 : index
        %get3A_152 = tpu.vector_load %arg12[%get3A_150, %get3A_151] {strides = array<i32>} : memref<128x128xf32, #tpu.memory_space<vmem>>, vector<1x16xf32>,
        %get3A_153 = vector.shape_cast %get3A_152 : vector<1x16xf32> to vector<16xf32>
        %get3A_154 = arith.index_cast %scan3A_109 : i32 to index
        %get3A_155 = arith.constant 48 : index
        %get3A_156 = tpu.vector_load %arg13[%get3A_154, %get3A_155] {strides = array<i32>} : memref<128x128xf32, #tpu.memory_space<vmem>>, vector<1x16xf32>,
        %get3A_157 = vector.shape_cast %get3A_156 : vector<1x16xf32> to vector<16xf32>
        %add3A_158 = arith.addf %get3A_153, %get3A_157 : vector<16xf32>
        %swap3A_159 = arith.index_cast %scan3A_109 : i32 to index
        %swap3A_160 = arith.constant 48 : index
        %swap3A_161 = tpu.vector_load %arg14[%swap3A_159, %swap3A_160] {strides = array<i32>} : memref<128x128xf32, #tpu.memory_space<vmem>>, vector<1x16xf32>,
        %swap3A_162 = vector.shape_cast %swap3A_161 : vector<1x16xf32> to vector<16xf32>
        %swap3A_163 = vector.shape_cast %add3A_158 : vector<16xf32> to vector<1x16xf32>
        tpu.vector_store %arg14[%swap3A_159, %swap3A_160], %swap3A_163 {strides = array<i32>} : memref<128x128xf32, #tpu.memory_space<vmem>>, vector<1x16xf32>,
        %get3A_164 = arith.index_cast %scan3A_109 : i32 to index
        %get3A_165 = arith.constant 64 : index
        %get3A_166 = tpu.vector_load %arg12[%get3A_164, %get3A_165] {strides = array<i32>} : memref<128x128xf32, #tpu.memory_space<vmem>>, vector<1x16xf32>,
        %get3A_167 = vector.shape_cast %get3A_166 : vector<1x16xf32> to vector<16xf32>
        %get3A_168 = arith.index_cast %scan3A_109 : i32 to index
        %get3A_169 = arith.constant 64 : index
        %get3A_170 = tpu.vector_load %arg13[%get3A_168, %get3A_169] {strides = array<i32>} : memref<128x128xf32, #tpu.memory_space<vmem>>, vector<1x16xf32>,
        %get3A_171 = vector.shape_cast %get3A_170 : vector<1x16xf32> to vector<16xf32>
        %add3A_172 = arith.addf %get3A_167, %get3A_171 : vector<16xf32>
        %swap3A_173 = arith.index_cast %scan3A_109 : i32 to index
        %swap3A_174 = arith.constant 64 : index
        %swap3A_175 = tpu.vector_load %arg14[%swap3A_173, %swap3A_174] {strides = array<i32>} : memref<128x128xf32, #tpu.memory_space<vmem>>, vector<1x16xf32>,
        %swap3A_176 = vector.shape_cast %swap3A_175 : vector<1x16xf32> to vector<16xf32>
        %swap3A_177 = vector.shape_cast %add3A_172 : vector<16xf32> to vector<1x16xf32>
        tpu.vector_store %arg14[%swap3A_173, %swap3A_174], %swap3A_177 {strides = array<i32>} : memref<128x128xf32, #tpu.memory_space<vmem>>, vector<1x16xf32>,
        %get3A_178 = arith.index_cast %scan3A_109 : i32 to index
        %get3A_179 = arith.constant 80 : index
        %get3A_180 = tpu.vector_load %arg12[%get3A_178, %get3A_179] {strides = array<i32>} : memref<128x128xf32, #tpu.memory_space<vmem>>, vector<1x16xf32>,
        %get3A_181 = vector.shape_cast %get3A_180 : vector<1x16xf32> to vector<16xf32>
        %get3A_182 = arith.index_cast %scan3A_109 : i32 to index
        %get3A_183 = arith.constant 80 : index
        %get3A_184 = tpu.vector_load %arg13[%get3A_182, %get3A_183] {strides = array<i32>} : memref<128x128xf32, #tpu.memory_space<vmem>>, vector<1x16xf32>,
        %get3A_185 = vector.shape_cast %get3A_184 : vector<1x16xf32> to vector<16xf32>
        %add3A_186 = arith.addf %get3A_181, %get3A_185 : vector<16xf32>
        %swap3A_187 = arith.index_cast %scan3A_109 : i32 to index
        %swap3A_188 = arith.constant 80 : index
        %swap3A_189 = tpu.vector_load %arg14[%swap3A_187, %swap3A_188] {strides = array<i32>} : memref<128x128xf32, #tpu.memory_space<vmem>>, vector<1x16xf32>,
        %swap3A_190 = vector.shape_cast %swap3A_189 : vector<1x16xf32> to vector<16xf32>
        %swap3A_191 = vector.shape_cast %add3A_186 : vector<16xf32> to vector<1x16xf32>
        tpu.vector_store %arg14[%swap3A_187, %swap3A_188], %swap3A_191 {strides = array<i32>} : memref<128x128xf32, #tpu.memory_space<vmem>>, vector<1x16xf32>,
        %get3A_192 = arith.index_cast %scan3A_109 : i32 to index
        %get3A_193 = arith.constant 96 : index
        %get3A_194 = tpu.vector_load %arg12[%get3A_192, %get3A_193] {strides = array<i32>} : memref<128x128xf32, #tpu.memory_space<vmem>>, vector<1x16xf32>,
        %get3A_195 = vector.shape_cast %get3A_194 : vector<1x16xf32> to vector<16xf32>
        %get3A_196 = arith.index_cast %scan3A_109 : i32 to index
        %get3A_197 = arith.constant 96 : index
        %get3A_198 = tpu.vector_load %arg13[%get3A_196, %get3A_197] {strides = array<i32>} : memref<128x128xf32, #tpu.memory_space<vmem>>, vector<1x16xf32>,
        %get3A_199 = vector.shape_cast %get3A_198 : vector<1x16xf32> to vector<16xf32>
        %add3A_200 = arith.addf %get3A_195, %get3A_199 : vector<16xf32>
        %swap3A_201 = arith.index_cast %scan3A_109 : i32 to index
        %swap3A_202 = arith.constant 96 : index
        %swap3A_203 = tpu.vector_load %arg14[%swap3A_201, %swap3A_202] {strides = array<i32>} : memref<128x128xf32, #tpu.memory_space<vmem>>, vector<1x16xf32>,
        %swap3A_204 = vector.shape_cast %swap3A_203 : vector<1x16xf32> to vector<16xf32>
        %swap3A_205 = vector.shape_cast %add3A_200 : vector<16xf32> to vector<1x16xf32>
        tpu.vector_store %arg14[%swap3A_201, %swap3A_202], %swap3A_205 {strides = array<i32>} : memref<128x128xf32, #tpu.memory_space<vmem>>, vector<1x16xf32>,
        %get3A_206 = arith.index_cast %scan3A_109 : i32 to index
        %get3A_207 = arith.constant 112 : index
        %get3A_208 = tpu.vector_load %arg12[%get3A_206, %get3A_207] {strides = array<i32>} : memref<128x128xf32, #tpu.memory_space<vmem>>, vector<1x16xf32>,
        %get3A_209 = vector.shape_cast %get3A_208 : vector<1x16xf32> to vector<16xf32>
        %get3A_210 = arith.index_cast %scan3A_109 : i32 to index
        %get3A_211 = arith.constant 112 : index
        %get3A_212 = tpu.vector_load %arg13[%get3A_210, %get3A_211] {strides = array<i32>} : memref<128x128xf32, #tpu.memory_space<vmem>>, vector<1x16xf32>,
        %get3A_213 = vector.shape_cast %get3A_212 : vector<1x16xf32> to vector<16xf32>
        %add3A_214 = arith.addf %get3A_209, %get3A_213 : vector<16xf32>
        %swap3A_215 = arith.index_cast %scan3A_109 : i32 to index
        %swap3A_216 = arith.constant 112 : index
        %swap3A_217 = tpu.vector_load %arg14[%swap3A_215, %swap3A_216] {strides = array<i32>} : memref<128x128xf32, #tpu.memory_space<vmem>>, vector<1x16xf32>,
        %swap3A_218 = vector.shape_cast %swap3A_217 : vector<1x16xf32> to vector<16xf32>
        %swap3A_219 = vector.shape_cast %add3A_214 : vector<16xf32> to vector<1x16xf32>
        tpu.vector_store %arg14[%swap3A_215, %swap3A_216], %swap3A_219 {strides = array<i32>} : memref<128x128xf32, #tpu.memory_space<vmem>>, vector<1x16xf32>,
      }
      %scan3A_96 = arith.constant 128 : i32
      %mul3A_97 = arith.constant 128 : i32
      %mul3A_98 = arith.muli %add3A_73, %mul3A_97 : i32
      %add3A_99 = arith.addi %mul3A_2, %mul3A_98 : i32
      %dma_start3A_100 = arith.constant 0 : i32
      %dma_start3A_101 = tpu.memref_slice %arg6[%add3A_99, %dma_start3A_100] : memref<204800x128xf32, #tpu.memory_space<hbm>> -> memref<128x128xf32, #tpu.memory_space<hbm>>
      %dma_start3A_102 = arith.constant 0 : i32
      %dma_start3A_103 = tpu.memref_slice %arg6[%add3A_99, %dma_start3A_102] : memref<204800x128xf32, #tpu.memory_space<hbm>> -> memref<128x128xf32, #tpu.memory_space<hbm>>
      tpu.enqueue_dma source(%arg14 : memref<128x128xf32, #tpu.memory_space<vmem>>) target(%dma_start3A_103 : memref<128x128xf32, #tpu.memory_space<hbm>>) target_semaphore(%arg20 : memref<!tpu.dma_semaphore, #tpu.memory_space<semaphore_mem>>)
      %lt3A_104 = arith.constant 24 : i32
      %lt3A_105 = arith.cmpi slt, %scan3A_34, %lt3A_104 : i32
      %convert_element_type3A_106 = arith.extui %lt3A_105 : i1 to i32
      %cond3A_107 = arith.constant 0 : i32
      %cond3A_108 = arith.cmpi ne, %convert_element_type3A_106, %cond3A_107 : i32
      scf.if %cond3A_108 {
        %add3A_109 = arith.constant 2 : i32
        %add3A_110 = arith.addi %add3A_73, %add3A_109 : i32
        %mul3A_111 = arith.constant 128 : i32
        %mul3A_112 = arith.muli %add3A_110, %mul3A_111 : i32
        %dma_start3A_113 = tpu.memref_slice %arg7[%mul3A_112] : memref<6400xi32, #tpu.memory_space<vmem>> -> memref<128xi32, #tpu.memory_space<vmem>>
        %dma_start3A_114 = arith.constant 0 : i32
        %dma_start3A_115 = arith.constant 0 : i32
        %dma_start3A_116 = tpu.memref_slice %arg2[%dma_start3A_114, %dma_start3A_115] : memref<8032x128xf32, #tpu.memory_space<hbm>> -> memref<8032x128xf32, #tpu.memory_space<hbm>>
        tpu.enqueue_indirect_dma source(%dma_start3A_116 : memref<8032x128xf32, #tpu.memory_space<hbm>>) target(%arg12 : memref<128x128xf32, #tpu.memory_space<vmem>>) offsets(%dma_start3A_113 : memref<128xi32, #tpu.memory_space<vmem>>) semaphore(%arg18 : memref<!tpu.dma_semaphore, #tpu.memory_space<semaphore_mem>>)
        %add3A_117 = arith.constant 2 : i32
        %add3A_118 = arith.addi %add3A_73, %add3A_117 : i32
        %mul3A_119 = arith.constant 128 : i32
        %mul3A_120 = arith.muli %add3A_118, %mul3A_119 : i32
        %dma_start3A_121 = tpu.memref_slice %arg8[%mul3A_120] : memref<6400xi32, #tpu.memory_space<vmem>> -> memref<128xi32, #tpu.memory_space<vmem>>
        %dma_start3A_122 = arith.constant 0 : i32
        %dma_start3A_123 = arith.constant 0 : i32
        %dma_start3A_124 = tpu.memref_slice %arg3[%dma_start3A_122, %dma_start3A_123] : memref<100000x128xf32, #tpu.memory_space<hbm>> -> memref<100000x128xf32, #tpu.memory_space<hbm>>
        tpu.enqueue_indirect_dma source(%dma_start3A_124 : memref<100000x128xf32, #tpu.memory_space<hbm>>) target(%arg13 : memref<128x128xf32, #tpu.memory_space<vmem>>) offsets(%dma_start3A_121 : memref<128xi32, #tpu.memory_space<vmem>>) semaphore(%arg19 : memref<!tpu.dma_semaphore, #tpu.memory_space<semaphore_mem>>)
      } else {
      }
    }
    %scan3A_26 = arith.constant 25 : i32
    %dma_wait3A = arith.constant 0 : i32
    %dma_wait3A_27 = tpu.memref_slice %arg6[%mul3A_2, %dma_wait3A] : memref<204800x128xf32, #tpu.memory_space<hbm>> -> memref<128x128xf32, #tpu.memory_space<hbm>>
    %dma_wait3A_28 = arith.constant 0 : i32
    %dma_wait3A_29 = tpu.memref_slice %arg6[%mul3A_2, %dma_wait3A_28] : memref<204800x128xf32, #tpu.memory_space<hbm>> -> memref<128x128xf32, #tpu.memory_space<hbm>>
    tpu.wait_dma2 semaphore(%arg17 : memref<!tpu.dma_semaphore, #tpu.memory_space<semaphore_mem>>) src(%arg11 : memref<128x128xf32, #tpu.memory_space<vmem>>) dst(%dma_wait3A_29 : memref<128x128xf32, #tpu.memory_space<hbm>>)
    %dma_wait3A_30 = arith.constant 0 : i32
    %dma_wait3A_31 = tpu.memref_slice %arg6[%mul3A_2, %dma_wait3A_30] : memref<204800x128xf32, #tpu.memory_space<hbm>> -> memref<128x128xf32, #tpu.memory_space<hbm>>
    %dma_wait3A_32 = arith.constant 0 : i32
    %dma_wait3A_33 = tpu.memref_slice %arg6[%mul3A_2, %dma_wait3A_32] : memref<204800x128xf32, #tpu.memory_space<hbm>> -> memref<128x128xf32, #tpu.memory_space<hbm>>
    tpu.wait_dma2 semaphore(%arg20 : memref<!tpu.dma_semaphore, #tpu.memory_space<semaphore_mem>>) src(%arg14 : memref<128x128xf32, #tpu.memory_space<vmem>>) dst(%dma_wait3A_33 : memref<128x128xf32, #tpu.memory_space<hbm>>)
    return
  }
}

module attributes {stable_mosaic.version = 14 : i64} {
  func.func @_prep_body(%arg0: memref<251x128xf32, #tpu.memory_space<vmem>>, %arg1: memref<4x128xf32, #tpu.memory_space<vmem>>, %arg2: memref<1024x251xi32, #tpu.memory_space<vmem>>, %arg3: memref<1024x251xi32, #tpu.memory_space<vmem>>, %arg4: memref<8x1004x128xf32, #tpu.memory_space<vmem>>, %arg5: memref<1024x200xi32, #tpu.memory_space<vmem>>, %arg6: memref<1024x251xf32, #tpu.memory_space<vmem>>, %arg7: memref<1024x251xf32, #tpu.memory_space<vmem>>) attributes {dimension_semantics = [], scalar_prefetch = 0 : i64, scratch_operands = 0 : i64, tpu.core_type = #tpu.core_type<tc>} {
    %get3A = arith.constant 0 : index
    %get3A_0 = arith.constant 0 : index
    %get3A_1 = vector.load %arg0[%get3A, %get3A_0] : memref<251x128xf32, #tpu.memory_space<vmem>>, vector<251x128xf32>
    %broadcast_in_dim3A = vector.shape_cast %get3A_1 : vector<251x128xf32> to vector<251x1x128xf32>
    %get3A_2 = arith.constant 0 : index
    %get3A_3 = arith.constant 0 : index
    %get3A_4 = vector.load %arg1[%get3A_2, %get3A_3] : memref<4x128xf32, #tpu.memory_space<vmem>>, vector<4x128xf32>
    %broadcast_in_dim3A_5 = vector.shape_cast %get3A_4 : vector<4x128xf32> to vector<1x4x128xf32>
    %add3A = vector.broadcast %broadcast_in_dim3A : vector<251x1x128xf32> to vector<251x4x128xf32>
    %add3A_6 = vector.broadcast %broadcast_in_dim3A_5 : vector<1x4x128xf32> to vector<251x4x128xf32>
    %add3A_7 = arith.addf %add3A, %add3A_6 : vector<251x4x128xf32>
    %reshape3A = vector.shape_cast %add3A_7 : vector<251x4x128xf32> to vector<1004x128xf32>
    %broadcast_in_dim3A_8 = vector.shape_cast %reshape3A : vector<1004x128xf32> to vector<1x1004x128xf32>
    %broadcast_in_dim3A_9 = vector.shape_cast %broadcast_in_dim3A_8 : vector<1x1004x128xf32> to vector<1x1004x128xf32>
    %broadcast_in_dim3A_10 = vector.broadcast %broadcast_in_dim3A_9 : vector<1x1004x128xf32> to vector<8x1004x128xf32>
    %swap3A = arith.constant 0 : index
    %swap3A_11 = arith.constant 0 : index
    %swap3A_12 = arith.constant 0 : index
    %swap3A_13 = vector.load %arg4[%swap3A, %swap3A_11, %swap3A_12] : memref<8x1004x128xf32, #tpu.memory_space<vmem>>, vector<8x1004x128xf32>
    tpu.vector_store %arg4[%swap3A, %swap3A_11, %swap3A_12], %broadcast_in_dim3A_10 {strides = array<i32>} : memref<8x1004x128xf32, #tpu.memory_space<vmem>>, vector<8x1004x128xf32>,
    %get3A_14 = arith.constant 0 : index
    %get3A_15 = arith.constant 0 : index
    %get3A_16 = vector.load %arg3[%get3A_14, %get3A_15] : memref<1024x251xi32, #tpu.memory_space<vmem>>, vector<1024x251xi32>
    %iota3A = tpu.iota {dimensions = array<i32: 0>} : vector<1024x200xi32>
    %mul3A = arith.constant 200 : i32
    %mul3A_17 = vector.broadcast %mul3A : i32 to vector<1024x200xi32>
    %mul3A_18 = arith.muli %iota3A, %mul3A_17 : vector<1024x200xi32>
    %iota3A_19 = tpu.iota {dimensions = array<i32: 1>} : vector<1024x200xi32>
    %add3A_20 = arith.addi %mul3A_18, %iota3A_19 : vector<1024x200xi32>
    %jit3A = arith.constant 6400 : i32
    %div3A = vector.broadcast %jit3A : i32 to vector<1024x200xi32>
    %div3A_21 = arith.divsi %add3A_20, %div3A : vector<1024x200xi32>
    %sign3A = arith.constant 0 : i32
    %sign3A_22 = vector.broadcast %sign3A : i32 to vector<1024x200xi32>
    %sign3A_23 = arith.cmpi sgt, %add3A_20, %sign3A_22 : vector<1024x200xi32>
    %sign3A_24 = arith.extui %sign3A_23 : vector<1024x200xi1> to vector<1024x200xi32>
    %sign3A_25 = arith.constant 0 : i32
    %sign3A_26 = vector.broadcast %sign3A_25 : i32 to vector<1024x200xi32>
    %sign3A_27 = arith.cmpi slt, %add3A_20, %sign3A_26 : vector<1024x200xi32>
    %sign3A_28 = arith.extui %sign3A_27 : vector<1024x200xi1> to vector<1024x200xi32>
    %sign3A_29 = arith.subi %sign3A_24, %sign3A_28 : vector<1024x200xi32>
    %sign3A_30 = arith.constant 0 : i32
    %sign3A_31 = arith.cmpi sgt, %jit3A, %sign3A_30 : i32
    %sign3A_32 = arith.extui %sign3A_31 : i1 to i32
    %sign3A_33 = arith.constant 0 : i32
    %sign3A_34 = arith.cmpi slt, %jit3A, %sign3A_33 : i32
    %sign3A_35 = arith.extui %sign3A_34 : i1 to i32
    %sign3A_36 = arith.subi %sign3A_32, %sign3A_35 : i32
    %ne3A = vector.broadcast %sign3A_36 : i32 to vector<1024x200xi32>
    %ne3A_37 = arith.cmpi ne, %sign3A_29, %ne3A : vector<1024x200xi32>
    %rem3A = vector.broadcast %jit3A : i32 to vector<1024x200xi32>
    %rem3A_38 = arith.remsi %add3A_20, %rem3A : vector<1024x200xi32>
    %ne3A_39 = arith.constant 0 : i32
    %ne3A_40 = vector.broadcast %ne3A_39 : i32 to vector<1024x200xi32>
    %ne3A_41 = arith.cmpi ne, %rem3A_38, %ne3A_40 : vector<1024x200xi32>
    %and3A = arith.andi %ne3A_37, %ne3A_41 : vector<1024x200xi1>
    %sub3A = arith.constant 1 : i32
    %sub3A_42 = vector.broadcast %sub3A : i32 to vector<1024x200xi32>
    %sub3A_43 = arith.subi %div3A_21, %sub3A_42 : vector<1024x200xi32>
    %select_n3A = arith.select %and3A, %sub3A_43, %div3A_21 : vector<1024x200xi1>, vector<1024x200xi32>
    %rem3A_44 = arith.constant 8 : i32
    %rem3A_45 = vector.broadcast %rem3A_44 : i32 to vector<1024x200xi32>
    %rem3A_46 = arith.remsi %select_n3A, %rem3A_45 : vector<1024x200xi32>
    %get3A_47 = arith.constant 0 : index
    %get3A_48 = arith.constant 0 : index
    %get3A_49 = vector.load %arg2[%get3A_47, %get3A_48] : memref<1024x251xi32, #tpu.memory_space<vmem>>, vector<1024x251xi32>
    %slice3A = vector.extract_strided_slice %get3A_49 {offsets = [0, 51], sizes = [1024, 200], strides = [1, 1]} : vector<1024x251xi32> to vector<1024x200xi32>
    %mul3A_50 = arith.constant 4 : i32
    %mul3A_51 = vector.broadcast %mul3A_50 : i32 to vector<1024x200xi32>
    %mul3A_52 = arith.muli %slice3A, %mul3A_51 : vector<1024x200xi32>
    %slice3A_53 = vector.extract_strided_slice %get3A_16 {offsets = [0, 51], sizes = [1024, 200], strides = [1, 1]} : vector<1024x251xi32> to vector<1024x200xi32>
    %add3A_54 = arith.addi %mul3A_52, %slice3A_53 : vector<1024x200xi32>
    %mul3A_55 = arith.constant 1004 : i32
    %mul3A_56 = vector.broadcast %mul3A_55 : i32 to vector<1024x200xi32>
    %mul3A_57 = arith.muli %rem3A_46, %mul3A_56 : vector<1024x200xi32>
    %add3A_58 = arith.addi %add3A_54, %mul3A_57 : vector<1024x200xi32>
    %swap3A_59 = arith.constant 0 : index
    %swap3A_60 = arith.constant 0 : index
    %swap3A_61 = vector.load %arg5[%swap3A_59, %swap3A_60] : memref<1024x200xi32, #tpu.memory_space<vmem>>, vector<1024x200xi32>
    tpu.vector_store %arg5[%swap3A_59, %swap3A_60], %add3A_58 {strides = array<i32>} : memref<1024x200xi32, #tpu.memory_space<vmem>>, vector<1024x200xi32>,
    %ge3A = arith.constant 1 : i32
    %ge3A_62 = vector.broadcast %ge3A : i32 to vector<1024x251xi32>
    %ge3A_63 = arith.cmpi sge, %get3A_16, %ge3A_62 : vector<1024x251xi32>
    %jit3A_64 = arith.constant 0.000000e+00 : f32
    %jit3A_65 = arith.constant -1.000000e+04 : f32
    %broadcast_in_dim3A_66 = vector.broadcast %jit3A_64 : f32 to vector<1024x251xf32>
    %broadcast_in_dim3A_67 = vector.broadcast %jit3A_65 : f32 to vector<1024x251xf32>
    %select_n3A_68 = arith.select %ge3A_63, %broadcast_in_dim3A_66, %broadcast_in_dim3A_67 : vector<1024x251xi1>, vector<1024x251xf32>
    %swap3A_69 = arith.constant 0 : index
    %swap3A_70 = arith.constant 0 : index
    %swap3A_71 = vector.load %arg6[%swap3A_69, %swap3A_70] : memref<1024x251xf32, #tpu.memory_space<vmem>>, vector<1024x251xf32>
    tpu.vector_store %arg6[%swap3A_69, %swap3A_70], %select_n3A_68 {strides = array<i32>} : memref<1024x251xf32, #tpu.memory_space<vmem>>, vector<1024x251xf32>,
    %eq3A = arith.constant 1 : i32
    %eq3A_72 = vector.broadcast %eq3A : i32 to vector<1024x251xi32>
    %eq3A_73 = arith.cmpi eq, %get3A_16, %eq3A_72 : vector<1024x251xi32>
    %convert_element_type3A = arith.extui %eq3A_73 : vector<1024x251xi1> to vector<1024x251xi32>
    %convert_element_type3A_74 = arith.sitofp %convert_element_type3A : vector<1024x251xi32> to vector<1024x251xf32>
    %swap3A_75 = arith.constant 0 : index
    %swap3A_76 = arith.constant 0 : index
    %swap3A_77 = vector.load %arg7[%swap3A_75, %swap3A_76] : memref<1024x251xf32, #tpu.memory_space<vmem>>, vector<1024x251xf32>
    tpu.vector_store %arg7[%swap3A_75, %swap3A_76], %convert_element_type3A_74 {strides = array<i32>} : memref<1024x251xf32, #tpu.memory_space<vmem>>, vector<1024x251xf32>,
    return
  }
}

module attributes {stable_mosaic.version = 14 : i64} {
  func.func @_tc_body(%arg0: i32, %arg1: memref<32x200x128xf32, #tpu.memory_space<vmem>>, %arg2: memref<32x251xi32, #tpu.memory_space<vmem>>, %arg3: memref<32x251xi32, #tpu.memory_space<vmem>>, %arg4: memref<255x128xf32, #tpu.memory_space<vmem>>, %arg5: memref<32x50x3xf32, #tpu.memory_space<vmem>>, %arg6: memref<32x50xi32, #tpu.memory_space<vmem>>, %arg7: memref<32x50xi32, #tpu.memory_space<vmem>>, %arg8: memref<32x50xi32, #tpu.memory_space<vmem>>, %arg9: memref<32x50xi32, #tpu.memory_space<vmem>>, %arg10: memref<32x1x128xf32, #tpu.memory_space<vmem>>, %arg11: memref<8x64xf32, #tpu.memory_space<vmem>>, %arg12: memref<3x64xf32, #tpu.memory_space<vmem>>, %arg13: memref<2x64xf32, #tpu.memory_space<vmem>>, %arg14: memref<2x64xf32, #tpu.memory_space<vmem>>, %arg15: memref<3x64xf32, #tpu.memory_space<vmem>>, %arg16: memref<1x64xf32, #tpu.memory_space<vmem>>, %arg17: memref<128x128xf32, #tpu.memory_space<vmem>>, %arg18: memref<1x128xf32, #tpu.memory_space<vmem>>, %arg19: memref<320x128xf32, #tpu.memory_space<vmem>>, %arg20: memref<1x128xf32, #tpu.memory_space<vmem>>, %arg21: memref<1x128xf32, #tpu.memory_space<vmem>>, %arg22: memref<1x128xf32, #tpu.memory_space<vmem>>, %arg23: memref<32x251x128xf32, #tpu.memory_space<vmem>>) attributes {dimension_semantics = [#tpu.dimension_semantics<arbitrary>], iteration_bounds = array<i64: 32>, scalar_prefetch = 0 : i64, scratch_operands = 0 : i64, tpu.core_type = #tpu.core_type<tc>, window_params = [{transform_indices = @transform_0, window_bounds = array<i64: 32, 200, 128>}, {transform_indices = @transform_1, window_bounds = array<i64: 32, 251>}, {transform_indices = @transform_2, window_bounds = array<i64: 32, 251>}, {pipeline_mode = #tpu.pipeline_mode<synchronous>, transform_indices = @transform_3, window_bounds = array<i64: 255, 128>}, {transform_indices = @transform_4, window_bounds = array<i64: 32, 50, 3>}, {transform_indices = @transform_5, window_bounds = array<i64: 32, 50>}, {transform_indices = @transform_6, window_bounds = array<i64: 32, 50>}, {transform_indices = @transform_7, window_bounds = array<i64: 32, 50>}, {transform_indices = @transform_8, window_bounds = array<i64: 32, 50>}, {transform_indices = @transform_9, window_bounds = array<i64: 32, 1, 128>}, {pipeline_mode = #tpu.pipeline_mode<synchronous>, transform_indices = @transform_10, window_bounds = array<i64: 8, 64>}, {pipeline_mode = #tpu.pipeline_mode<synchronous>, transform_indices = @transform_11, window_bounds = array<i64: 3, 64>}, {pipeline_mode = #tpu.pipeline_mode<synchronous>, transform_indices = @transform_12, window_bounds = array<i64: 2, 64>}, {pipeline_mode = #tpu.pipeline_mode<synchronous>, transform_indices = @transform_13, window_bounds = array<i64: 2, 64>}, {pipeline_mode = #tpu.pipeline_mode<synchronous>, transform_indices = @transform_14, window_bounds = array<i64: 3, 64>}, {pipeline_mode = #tpu.pipeline_mode<synchronous>, transform_indices = @transform_15, window_bounds = array<i64: 1, 64>}, {pipeline_mode = #tpu.pipeline_mode<synchronous>, transform_indices = @transform_16, window_bounds = array<i64: 128, 128>}, {pipeline_mode = #tpu.pipeline_mode<synchronous>, transform_indices = @transform_17, window_bounds = array<i64: 1, 128>}, {pipeline_mode = #tpu.pipeline_mode<synchronous>, transform_indices = @transform_18, window_bounds = array<i64: 320, 128>}, {pipeline_mode = #tpu.pipeline_mode<synchronous>, transform_indices = @transform_19, window_bounds = array<i64: 1, 128>}, {pipeline_mode = #tpu.pipeline_mode<synchronous>, transform_indices = @transform_20, window_bounds = array<i64: 1, 128>}, {pipeline_mode = #tpu.pipeline_mode<synchronous>, transform_indices = @transform_21, window_bounds = array<i64: 1, 128>}, {transform_indices = @transform_22, window_bounds = array<i64: 32, 251, 128>}]} {
    %get3A = arith.constant 0 : index
    %get3A_0 = arith.constant 0 : index
    %get3A_1 = vector.load %arg19[%get3A, %get3A_0] : memref<320x128xf32, #tpu.memory_space<vmem>>, vector<320x128xf32>
    %get3A_2 = arith.constant 0 : index
    %get3A_3 = arith.constant 0 : index
    %get3A_4 = vector.load %arg11[%get3A_2, %get3A_3] : memref<8x64xf32, #tpu.memory_space<vmem>>, vector<8x64xf32>
    %slice3A = vector.extract_strided_slice %get3A_1 {offsets = [64, 0], sizes = [64, 128], strides = [1, 1]} : vector<320x128xf32> to vector<64x128xf32>
    %dot_general3A = arith.constant dense<0.000000e+00> : vector<8x128xf32>
    %dot_general3A_5 = tpu.matmul %get3A_4, %slice3A, %dot_general3A {dimension_numbers = #tpu.dot_dimension_numbers<[1], [0], [0], [1], [0, 0, 1, 1], [], []>, transpose_lhs_hint = false} : vector<8x64xf32>, vector<64x128xf32>, vector<8x128xf32> -> vector<8x128xf32>
    %get3A_6 = arith.constant 0 : index
    %get3A_7 = arith.constant 0 : index
    %get3A_8 = vector.load %arg12[%get3A_6, %get3A_7] : memref<3x64xf32, #tpu.memory_space<vmem>>, vector<3x64xf32>
    %slice3A_9 = vector.extract_strided_slice %get3A_1 {offsets = [128, 0], sizes = [64, 128], strides = [1, 1]} : vector<320x128xf32> to vector<64x128xf32>
    %dot_general3A_10 = arith.constant dense<0.000000e+00> : vector<3x128xf32>
    %dot_general3A_11 = tpu.matmul %get3A_8, %slice3A_9, %dot_general3A_10 {dimension_numbers = #tpu.dot_dimension_numbers<[1], [0], [0], [1], [0, 0, 1, 1], [], []>, transpose_lhs_hint = false} : vector<3x64xf32>, vector<64x128xf32>, vector<3x128xf32> -> vector<3x128xf32>
    %get3A_12 = arith.constant 0 : index
    %get3A_13 = arith.constant 0 : index
    %get3A_14 = vector.load %arg13[%get3A_12, %get3A_13] : memref<2x64xf32, #tpu.memory_space<vmem>>, vector<2x64xf32>
    %slice3A_15 = vector.extract_strided_slice %get3A_1 {offsets = [192, 0], sizes = [64, 128], strides = [1, 1]} : vector<320x128xf32> to vector<64x128xf32>
    %dot_general3A_16 = arith.constant dense<0.000000e+00> : vector<2x128xf32>
    %dot_general3A_17 = tpu.matmul %get3A_14, %slice3A_15, %dot_general3A_16 {dimension_numbers = #tpu.dot_dimension_numbers<[1], [0], [0], [1], [0, 0, 1, 1], [], []>, transpose_lhs_hint = false} : vector<2x64xf32>, vector<64x128xf32>, vector<2x128xf32> -> vector<2x128xf32>
    %get3A_18 = arith.constant 0 : index
    %get3A_19 = arith.constant 0 : index
    %get3A_20 = vector.load %arg14[%get3A_18, %get3A_19] : memref<2x64xf32, #tpu.memory_space<vmem>>, vector<2x64xf32>
    %slice3A_21 = vector.extract_strided_slice %get3A_1 {offsets = [256, 0], sizes = [64, 128], strides = [1, 1]} : vector<320x128xf32> to vector<64x128xf32>
    %dot_general3A_22 = arith.constant dense<0.000000e+00> : vector<2x128xf32>
    %dot_general3A_23 = tpu.matmul %get3A_20, %slice3A_21, %dot_general3A_22 {dimension_numbers = #tpu.dot_dimension_numbers<[1], [0], [0], [1], [0, 0, 1, 1], [], []>, transpose_lhs_hint = false} : vector<2x64xf32>, vector<64x128xf32>, vector<2x128xf32> -> vector<2x128xf32>
    %get3A_24 = arith.constant 0 : index
    %get3A_25 = arith.constant 0 : index
    %get3A_26 = vector.load %arg15[%get3A_24, %get3A_25] : memref<3x64xf32, #tpu.memory_space<vmem>>, vector<3x64xf32>
    %slice3A_27 = vector.extract_strided_slice %get3A_1 {offsets = [0, 0], sizes = [64, 128], strides = [1, 1]} : vector<320x128xf32> to vector<64x128xf32>
    %dot_general3A_28 = arith.constant dense<0.000000e+00> : vector<3x128xf32>
    %dot_general3A_29 = tpu.matmul %get3A_26, %slice3A_27, %dot_general3A_28 {dimension_numbers = #tpu.dot_dimension_numbers<[1], [0], [0], [1], [0, 0, 1, 1], [], []>, transpose_lhs_hint = false} : vector<3x64xf32>, vector<64x128xf32>, vector<3x128xf32> -> vector<3x128xf32>
    %get3A_30 = arith.constant 0 : index
    %get3A_31 = arith.constant 0 : index
    %get3A_32 = vector.load %arg16[%get3A_30, %get3A_31] : memref<1x64xf32, #tpu.memory_space<vmem>>, vector<1x64xf32>
    %slice3A_33 = vector.extract_strided_slice %get3A_1 {offsets = [0, 0], sizes = [64, 128], strides = [1, 1]} : vector<320x128xf32> to vector<64x128xf32>
    %dot_general3A_34 = arith.constant dense<0.000000e+00> : vector<1x128xf32>
    %dot_general3A_35 = tpu.matmul %get3A_32, %slice3A_33, %dot_general3A_34 {dimension_numbers = #tpu.dot_dimension_numbers<[1], [0], [0], [1], [0, 0, 1, 1], [], []>, transpose_lhs_hint = false} : vector<1x64xf32>, vector<64x128xf32>, vector<1x128xf32> -> vector<1x128xf32>
    %get3A_36 = arith.constant 0 : index
    %get3A_37 = arith.constant 0 : index
    %get3A_38 = vector.load %arg20[%get3A_36, %get3A_37] : memref<1x128xf32, #tpu.memory_space<vmem>>, vector<1x128xf32>
    %add3A = arith.addf %dot_general3A_35, %get3A_38 : vector<1x128xf32>
    %concatenate3A = tpu.concatenate %dot_general3A_5, %dot_general3A_11, %dot_general3A_17, %dot_general3A_23, %dot_general3A_29 in 0 : vector<8x128xf32>, vector<3x128xf32>, vector<2x128xf32>, vector<2x128xf32>, vector<3x128xf32> -> vector<18x128xf32>
    %iota3A = tpu.iota {dimensions = array<i32: 2>} : vector<32x50x15xi32>
    %get3A_39 = arith.constant 0 : index
    %get3A_40 = arith.constant 0 : index
    %get3A_41 = vector.load %arg6[%get3A_39, %get3A_40] : memref<32x50xi32, #tpu.memory_space<vmem>>, vector<32x50xi32>
    %broadcast_in_dim3A = vector.shape_cast %get3A_41 : vector<32x50xi32> to vector<32x50x1xi32>
    %eq3A = vector.broadcast %broadcast_in_dim3A : vector<32x50x1xi32> to vector<32x50x15xi32>
    %eq3A_42 = arith.cmpi eq, %eq3A, %iota3A : vector<32x50x15xi32>
    %get3A_43 = arith.constant 0 : index
    %get3A_44 = arith.constant 0 : index
    %get3A_45 = vector.load %arg7[%get3A_43, %get3A_44] : memref<32x50xi32, #tpu.memory_space<vmem>>, vector<32x50xi32>
    %broadcast_in_dim3A_46 = vector.shape_cast %get3A_45 : vector<32x50xi32> to vector<32x50x1xi32>
    %add3A_47 = arith.constant 8 : i32
    %add3A_48 = vector.broadcast %add3A_47 : i32 to vector<32x50x1xi32>
    %add3A_49 = arith.addi %broadcast_in_dim3A_46, %add3A_48 : vector<32x50x1xi32>
    %eq3A_50 = vector.broadcast %add3A_49 : vector<32x50x1xi32> to vector<32x50x15xi32>
    %eq3A_51 = arith.cmpi eq, %eq3A_50, %iota3A : vector<32x50x15xi32>
    %or3A = arith.ori %eq3A_42, %eq3A_51 : vector<32x50x15xi1>
    %get3A_52 = arith.constant 0 : index
    %get3A_53 = arith.constant 0 : index
    %get3A_54 = vector.load %arg8[%get3A_52, %get3A_53] : memref<32x50xi32, #tpu.memory_space<vmem>>, vector<32x50xi32>
    %broadcast_in_dim3A_55 = vector.shape_cast %get3A_54 : vector<32x50xi32> to vector<32x50x1xi32>
    %add3A_56 = arith.constant 8 : i32
    %add3A_57 = vector.broadcast %add3A_56 : i32 to vector<32x50x1xi32>
    %add3A_58 = arith.addi %broadcast_in_dim3A_55, %add3A_57 : vector<32x50x1xi32>
    %add3A_59 = arith.constant 3 : i32
    %add3A_60 = vector.broadcast %add3A_59 : i32 to vector<32x50x1xi32>
    %add3A_61 = arith.addi %add3A_58, %add3A_60 : vector<32x50x1xi32>
    %eq3A_62 = vector.broadcast %add3A_61 : vector<32x50x1xi32> to vector<32x50x15xi32>
    %eq3A_63 = arith.cmpi eq, %eq3A_62, %iota3A : vector<32x50x15xi32>
    %or3A_64 = arith.ori %or3A, %eq3A_63 : vector<32x50x15xi1>
    %get3A_65 = arith.constant 0 : index
    %get3A_66 = arith.constant 0 : index
    %get3A_67 = vector.load %arg9[%get3A_65, %get3A_66] : memref<32x50xi32, #tpu.memory_space<vmem>>, vector<32x50xi32>
    %broadcast_in_dim3A_68 = vector.shape_cast %get3A_67 : vector<32x50xi32> to vector<32x50x1xi32>
    %add3A_69 = arith.constant 8 : i32
    %add3A_70 = vector.broadcast %add3A_69 : i32 to vector<32x50x1xi32>
    %add3A_71 = arith.addi %broadcast_in_dim3A_68, %add3A_70 : vector<32x50x1xi32>
    %add3A_72 = arith.constant 3 : i32
    %add3A_73 = vector.broadcast %add3A_72 : i32 to vector<32x50x1xi32>
    %add3A_74 = arith.addi %add3A_71, %add3A_73 : vector<32x50x1xi32>
    %add3A_75 = arith.constant 2 : i32
    %add3A_76 = vector.broadcast %add3A_75 : i32 to vector<32x50x1xi32>
    %add3A_77 = arith.addi %add3A_74, %add3A_76 : vector<32x50x1xi32>
    %eq3A_78 = vector.broadcast %add3A_77 : vector<32x50x1xi32> to vector<32x50x15xi32>
    %eq3A_79 = arith.cmpi eq, %eq3A_78, %iota3A : vector<32x50x15xi32>
    %or3A_80 = arith.ori %or3A_64, %eq3A_79 : vector<32x50x15xi1>
    %convert_element_type3A = arith.extui %or3A_80 : vector<32x50x15xi1> to vector<32x50x15xi32>
    %convert_element_type3A_81 = arith.sitofp %convert_element_type3A : vector<32x50x15xi32> to vector<32x50x15xf32>
    %get3A_82 = arith.constant 0 : index
    %get3A_83 = arith.constant 0 : index
    %get3A_84 = arith.constant 0 : index
    %get3A_85 = vector.load %arg5[%get3A_82, %get3A_83, %get3A_84] : memref<32x50x3xf32, #tpu.memory_space<vmem>>, vector<32x50x3xf32>
    %concatenate3A_86 = tpu.concatenate %convert_element_type3A_81, %get3A_85 in 2 : vector<32x50x15xf32>, vector<32x50x3xf32> -> vector<32x50x18xf32>
    %reshape3A = vector.shape_cast %concatenate3A_86 : vector<32x50x18xf32> to vector<1600x18xf32>
    %dot_general3A_87 = arith.constant dense<0.000000e+00> : vector<1600x128xf32>
    %dot_general3A_88 = tpu.matmul %reshape3A, %concatenate3A, %dot_general3A_87 {dimension_numbers = #tpu.dot_dimension_numbers<[1], [0], [0], [1], [0, 0, 1, 1], [], []>, transpose_lhs_hint = false} : vector<1600x18xf32>, vector<18x128xf32>, vector<1600x128xf32> -> vector<1600x128xf32>
    %reshape3A_89 = vector.shape_cast %dot_general3A_88 : vector<1600x128xf32> to vector<32x50x128xf32>
    %squeeze3A = vector.shape_cast %add3A : vector<1x128xf32> to vector<128xf32>
    %broadcast_in_dim3A_90 = vector.shape_cast %squeeze3A : vector<128xf32> to vector<1x1x128xf32>
    %add3A_91 = vector.broadcast %broadcast_in_dim3A_90 : vector<1x1x128xf32> to vector<32x50x128xf32>
    %add3A_92 = arith.addf %reshape3A_89, %add3A_91 : vector<32x50x128xf32>
    %get3A_93 = arith.constant 0 : index
    %get3A_94 = arith.constant 0 : index
    %get3A_95 = arith.constant 0 : index
    %get3A_96 = vector.load %arg10[%get3A_93, %get3A_94, %get3A_95] : memref<32x1x128xf32, #tpu.memory_space<vmem>>, vector<32x1x128xf32>
    %reshape3A_97 = vector.shape_cast %get3A_96 : vector<32x1x128xf32> to vector<32x128xf32>
    %get3A_98 = arith.constant 0 : index
    %get3A_99 = arith.constant 0 : index
    %get3A_100 = vector.load %arg17[%get3A_98, %get3A_99] : memref<128x128xf32, #tpu.memory_space<vmem>>, vector<128x128xf32>
    %dot_general3A_101 = arith.constant dense<0.000000e+00> : vector<32x128xf32>
    %dot_general3A_102 = tpu.matmul %reshape3A_97, %get3A_100, %dot_general3A_101 {dimension_numbers = #tpu.dot_dimension_numbers<[1], [0], [0], [1], [0, 0, 1, 1], [], []>, transpose_lhs_hint = false} : vector<32x128xf32>, vector<128x128xf32>, vector<32x128xf32> -> vector<32x128xf32>
    %get3A_103 = arith.constant 0 : index
    %get3A_104 = arith.constant 0 : index
    %get3A_105 = vector.load %arg18[%get3A_103, %get3A_104] : memref<1x128xf32, #tpu.memory_space<vmem>>, vector<1x128xf32>
    %add3A_106 = vector.broadcast %get3A_105 : vector<1x128xf32> to vector<32x128xf32>
    %add3A_107 = arith.addf %dot_general3A_102, %add3A_106 : vector<32x128xf32>
    %get3A_108 = arith.constant 0 : index
    %get3A_109 = arith.constant 0 : index
    %get3A_110 = vector.load %arg2[%get3A_108, %get3A_109] : memref<32x251xi32, #tpu.memory_space<vmem>>, vector<32x251xi32>
    %slice3A_111 = vector.extract_strided_slice %get3A_110 {offsets = [0, 0], sizes = [32, 51], strides = [1, 1]} : vector<32x251xi32> to vector<32x51xi32>
    %get3A_112 = arith.constant 0 : index
    %get3A_113 = arith.constant 0 : index
    %get3A_114 = vector.load %arg3[%get3A_112, %get3A_113] : memref<32x251xi32, #tpu.memory_space<vmem>>, vector<32x251xi32>
    %slice3A_115 = vector.extract_strided_slice %get3A_114 {offsets = [0, 0], sizes = [32, 51], strides = [1, 1]} : vector<32x251xi32> to vector<32x51xi32>
    %iota3A_116 = tpu.iota {dimensions = array<i32: 2>} : vector<32x51x255xi32>
    %broadcast_in_dim3A_117 = vector.shape_cast %slice3A_111 : vector<32x51xi32> to vector<32x51x1xi32>
    %eq3A_118 = vector.broadcast %broadcast_in_dim3A_117 : vector<32x51x1xi32> to vector<32x51x255xi32>
    %eq3A_119 = arith.cmpi eq, %eq3A_118, %iota3A_116 : vector<32x51x255xi32>
    %broadcast_in_dim3A_120 = vector.shape_cast %slice3A_115 : vector<32x51xi32> to vector<32x51x1xi32>
    %add3A_121 = arith.constant 251 : i32
    %add3A_122 = vector.broadcast %add3A_121 : i32 to vector<32x51x1xi32>
    %add3A_123 = arith.addi %broadcast_in_dim3A_120, %add3A_122 : vector<32x51x1xi32>
    %eq3A_124 = vector.broadcast %add3A_123 : vector<32x51x1xi32> to vector<32x51x255xi32>
    %eq3A_125 = arith.cmpi eq, %eq3A_124, %iota3A_116 : vector<32x51x255xi32>
    %or3A_126 = arith.ori %eq3A_119, %eq3A_125 : vector<32x51x255xi1>
    %convert_element_type3A_127 = arith.extui %or3A_126 : vector<32x51x255xi1> to vector<32x51x255xi32>
    %convert_element_type3A_128 = arith.sitofp %convert_element_type3A_127 : vector<32x51x255xi32> to vector<32x51x255xf32>
    %reshape3A_129 = vector.shape_cast %convert_element_type3A_128 : vector<32x51x255xf32> to vector<1632x255xf32>
    %get3A_130 = arith.constant 0 : index
    %get3A_131 = arith.constant 0 : index
    %get3A_132 = vector.load %arg4[%get3A_130, %get3A_131] : memref<255x128xf32, #tpu.memory_space<vmem>>, vector<255x128xf32>
    %dot_general3A_133 = arith.constant dense<0.000000e+00> : vector<1632x128xf32>
    %dot_general3A_134 = tpu.matmul %reshape3A_129, %get3A_132, %dot_general3A_133 {dimension_numbers = #tpu.dot_dimension_numbers<[1], [0], [0], [1], [0, 0, 1, 1], [], []>, transpose_lhs_hint = false} : vector<1632x255xf32>, vector<255x128xf32>, vector<1632x128xf32> -> vector<1632x128xf32>
    %reshape3A_135 = vector.shape_cast %dot_general3A_134 : vector<1632x128xf32> to vector<32x51x128xf32>
    %broadcast_in_dim3A_136 = vector.shape_cast %add3A_107 : vector<32x128xf32> to vector<32x1x128xf32>
    %concatenate3A_137 = tpu.concatenate %add3A_92, %broadcast_in_dim3A_136 in 1 : vector<32x50x128xf32>, vector<32x1x128xf32> -> vector<32x51x128xf32>
    %add3A_138 = arith.addf %reshape3A_135, %concatenate3A_137 : vector<32x51x128xf32>
    %get3A_139 = arith.constant 0 : index
    %get3A_140 = arith.constant 0 : index
    %get3A_141 = arith.constant 0 : index
    %get3A_142 = vector.load %arg1[%get3A_139, %get3A_140, %get3A_141] : memref<32x200x128xf32, #tpu.memory_space<vmem>>, vector<32x200x128xf32>
    %concatenate3A_143 = tpu.concatenate %add3A_138, %get3A_142 in 1 : vector<32x51x128xf32>, vector<32x200x128xf32> -> vector<32x251x128xf32>
    %reduce_sum3A = arith.constant dense<0.000000e+00> : vector<32x251xf32>
    %reduce_sum3A_144 = vector.multi_reduction <add>, %concatenate3A_143, %reduce_sum3A [2] : vector<32x251x128xf32> to vector<32x251xf32>
    %broadcast_in_dim3A_145 = vector.shape_cast %reduce_sum3A_144 : vector<32x251xf32> to vector<32x251x1xf32>
    %div3A = arith.constant 1.280000e+02 : f32
    %div3A_146 = vector.broadcast %div3A : f32 to vector<32x251x1xf32>
    %div3A_147 = arith.divf %broadcast_in_dim3A_145, %div3A_146 : vector<32x251x1xf32>
    %sub3A = vector.broadcast %div3A_147 : vector<32x251x1xf32> to vector<32x251x128xf32>
    %sub3A_148 = arith.subf %concatenate3A_143, %sub3A : vector<32x251x128xf32>
    %mul3A = arith.mulf %sub3A_148, %sub3A_148 : vector<32x251x128xf32>
    %reduce_sum3A_149 = arith.constant dense<0.000000e+00> : vector<32x251xf32>
    %reduce_sum3A_150 = vector.multi_reduction <add>, %mul3A, %reduce_sum3A_149 [2] : vector<32x251x128xf32> to vector<32x251xf32>
    %broadcast_in_dim3A_151 = vector.shape_cast %reduce_sum3A_150 : vector<32x251xf32> to vector<32x251x1xf32>
    %div3A_152 = arith.constant 1.280000e+02 : f32
    %div3A_153 = vector.broadcast %div3A_152 : f32 to vector<32x251x1xf32>
    %div3A_154 = arith.divf %broadcast_in_dim3A_151, %div3A_153 : vector<32x251x1xf32>
    %get3A_155 = arith.constant 0 : index
    %get3A_156 = arith.constant 0 : index
    %get3A_157 = vector.load %arg21[%get3A_155, %get3A_156] : memref<1x128xf32, #tpu.memory_space<vmem>>, vector<1x128xf32>
    %squeeze3A_158 = vector.shape_cast %get3A_157 : vector<1x128xf32> to vector<128xf32>
    %broadcast_in_dim3A_159 = vector.shape_cast %squeeze3A_158 : vector<128xf32> to vector<1x1x128xf32>
    %get3A_160 = arith.constant 0 : index
    %get3A_161 = arith.constant 0 : index
    %get3A_162 = vector.load %arg22[%get3A_160, %get3A_161] : memref<1x128xf32, #tpu.memory_space<vmem>>, vector<1x128xf32>
    %squeeze3A_163 = vector.shape_cast %get3A_162 : vector<1x128xf32> to vector<128xf32>
    %broadcast_in_dim3A_164 = vector.shape_cast %squeeze3A_163 : vector<128xf32> to vector<1x1x128xf32>
    %add3A_165 = arith.constant 9.99999996E-13 : f32
    %add3A_166 = vector.broadcast %add3A_165 : f32 to vector<32x251x1xf32>
    %add3A_167 = arith.addf %div3A_154, %add3A_166 : vector<32x251x1xf32>
    %rsqrt3A = math.rsqrt %add3A_167 : vector<32x251x1xf32>
    %mul3A_168 = vector.broadcast %rsqrt3A : vector<32x251x1xf32> to vector<32x251x128xf32>
    %mul3A_169 = arith.mulf %sub3A_148, %mul3A_168 : vector<32x251x128xf32>
    %mul3A_170 = vector.broadcast %broadcast_in_dim3A_159 : vector<1x1x128xf32> to vector<32x251x128xf32>
    %mul3A_171 = arith.mulf %mul3A_169, %mul3A_170 : vector<32x251x128xf32>
    %add3A_172 = vector.broadcast %broadcast_in_dim3A_164 : vector<1x1x128xf32> to vector<32x251x128xf32>
    %add3A_173 = arith.addf %mul3A_171, %add3A_172 : vector<32x251x128xf32>
    %swap3A = arith.constant 0 : index
    %swap3A_174 = arith.constant 0 : index
    %swap3A_175 = arith.constant 0 : index
    %swap3A_176 = vector.load %arg23[%swap3A, %swap3A_174, %swap3A_175] : memref<32x251x128xf32, #tpu.memory_space<vmem>>, vector<32x251x128xf32>
    tpu.vector_store %arg23[%swap3A, %swap3A_174, %swap3A_175], %add3A_173 {strides = array<i32>} : memref<32x251x128xf32, #tpu.memory_space<vmem>>, vector<32x251x128xf32>,
    return
  }
  func.func @transform_0(%arg0: i32) -> (i32, i32, i32) {
    %c0_i32 = arith.constant 0 : i32
    %c0_i32_0 = arith.constant 0 : i32
    %c0_i32_1 = arith.constant 0 : i32
    return %arg0, %c0_i32, %c0_i32_0 : i32, i32, i32
  }
  func.func @transform_1(%arg0: i32) -> (i32, i32) {
    %c0_i32 = arith.constant 0 : i32
    %c0_i32_0 = arith.constant 0 : i32
    return %arg0, %c0_i32 : i32, i32
  }
  func.func @transform_2(%arg0: i32) -> (i32, i32) {
    %c0_i32 = arith.constant 0 : i32
    %c0_i32_0 = arith.constant 0 : i32
    return %arg0, %c0_i32 : i32, i32
  }
  func.func @transform_3(%arg0: i32) -> (i32, i32) {
    %c0_i32 = arith.constant 0 : i32
    %c0_i32_0 = arith.constant 0 : i32
    %c0_i32_1 = arith.constant 0 : i32
    return %c0_i32, %c0_i32_0 : i32, i32
  }
  func.func @transform_4(%arg0: i32) -> (i32, i32, i32) {
    %c0_i32 = arith.constant 0 : i32
    %c0_i32_0 = arith.constant 0 : i32
    %c0_i32_1 = arith.constant 0 : i32
    return %arg0, %c0_i32, %c0_i32_0 : i32, i32, i32
  }
  func.func @transform_5(%arg0: i32) -> (i32, i32) {
    %c0_i32 = arith.constant 0 : i32
    %c0_i32_0 = arith.constant 0 : i32
    return %arg0, %c0_i32 : i32, i32
  }
  func.func @transform_6(%arg0: i32) -> (i32, i32) {
    %c0_i32 = arith.constant 0 : i32
    %c0_i32_0 = arith.constant 0 : i32
    return %arg0, %c0_i32 : i32, i32
  }
  func.func @transform_7(%arg0: i32) -> (i32, i32) {
    %c0_i32 = arith.constant 0 : i32
    %c0_i32_0 = arith.constant 0 : i32
    return %arg0, %c0_i32 : i32, i32
  }
  func.func @transform_8(%arg0: i32) -> (i32, i32) {
    %c0_i32 = arith.constant 0 : i32
    %c0_i32_0 = arith.constant 0 : i32
    return %arg0, %c0_i32 : i32, i32
  }
  func.func @transform_9(%arg0: i32) -> (i32, i32, i32) {
    %c0_i32 = arith.constant 0 : i32
    %c0_i32_0 = arith.constant 0 : i32
    %c0_i32_1 = arith.constant 0 : i32
    return %arg0, %c0_i32, %c0_i32_0 : i32, i32, i32
  }
  func.func @transform_10(%arg0: i32) -> (i32, i32) {
    %c0_i32 = arith.constant 0 : i32
    %c0_i32_0 = arith.constant 0 : i32
    %c0_i32_1 = arith.constant 0 : i32
    return %c0_i32, %c0_i32_0 : i32, i32
  }
  func.func @transform_11(%arg0: i32) -> (i32, i32) {
    %c0_i32 = arith.constant 0 : i32
    %c0_i32_0 = arith.constant 0 : i32
    %c0_i32_1 = arith.constant 0 : i32
    return %c0_i32, %c0_i32_0 : i32, i32
  }
  func.func @transform_12(%arg0: i32) -> (i32, i32) {
    %c0_i32 = arith.constant 0 : i32
    %c0_i32_0 = arith.constant 0 : i32
    %c0_i32_1 = arith.constant 0 : i32
    return %c0_i32, %c0_i32_0 : i32, i32
  }
  func.func @transform_13(%arg0: i32) -> (i32, i32) {
    %c0_i32 = arith.constant 0 : i32
    %c0_i32_0 = arith.constant 0 : i32
    %c0_i32_1 = arith.constant 0 : i32
    return %c0_i32, %c0_i32_0 : i32, i32
  }
  func.func @transform_14(%arg0: i32) -> (i32, i32) {
    %c0_i32 = arith.constant 0 : i32
    %c0_i32_0 = arith.constant 0 : i32
    %c0_i32_1 = arith.constant 0 : i32
    return %c0_i32, %c0_i32_0 : i32, i32
  }
  func.func @transform_15(%arg0: i32) -> (i32, i32) {
    %c0_i32 = arith.constant 0 : i32
    %c0_i32_0 = arith.constant 0 : i32
    %c0_i32_1 = arith.constant 0 : i32
    return %c0_i32, %c0_i32_0 : i32, i32
  }
  func.func @transform_16(%arg0: i32) -> (i32, i32) {
    %c0_i32 = arith.constant 0 : i32
    %c0_i32_0 = arith.constant 0 : i32
    %c0_i32_1 = arith.constant 0 : i32
    return %c0_i32, %c0_i32_0 : i32, i32
  }
  func.func @transform_17(%arg0: i32) -> (i32, i32) {
    %c0_i32 = arith.constant 0 : i32
    %c0_i32_0 = arith.constant 0 : i32
    %c0_i32_1 = arith.constant 0 : i32
    return %c0_i32, %c0_i32_0 : i32, i32
  }
  func.func @transform_18(%arg0: i32) -> (i32, i32) {
    %c0_i32 = arith.constant 0 : i32
    %c0_i32_0 = arith.constant 0 : i32
    %c0_i32_1 = arith.constant 0 : i32
    return %c0_i32, %c0_i32_0 : i32, i32
  }
  func.func @transform_19(%arg0: i32) -> (i32, i32) {
    %c0_i32 = arith.constant 0 : i32
    %c0_i32_0 = arith.constant 0 : i32
    %c0_i32_1 = arith.constant 0 : i32
    return %c0_i32, %c0_i32_0 : i32, i32
  }
  func.func @transform_20(%arg0: i32) -> (i32, i32) {
    %c0_i32 = arith.constant 0 : i32
    %c0_i32_0 = arith.constant 0 : i32
    %c0_i32_1 = arith.constant 0 : i32
    return %c0_i32, %c0_i32_0 : i32, i32
  }
  func.func @transform_21(%arg0: i32) -> (i32, i32) {
    %c0_i32 = arith.constant 0 : i32
    %c0_i32_0 = arith.constant 0 : i32
    %c0_i32_1 = arith.constant 0 : i32
    return %c0_i32, %c0_i32_0 : i32, i32
  }
  func.func @transform_22(%arg0: i32) -> (i32, i32, i32) {
    %c0_i32 = arith.constant 0 : i32
    %c0_i32_0 = arith.constant 0 : i32
    %c0_i32_1 = arith.constant 0 : i32
    return %arg0, %c0_i32, %c0_i32_0 : i32, i32, i32
  }
}

</mosaic_0001>

<sc_bundles>
// kernel: kernel.5.cloned.1.call-start
scs
__scs_entry_jumppad:
0x0: {  	(pc) =	sbr.rel $0x88, $3  }
0x1: {  	(tag) =	ssettag $0x0;
	lr =	simm.s32 $0x1  }
0x2: {  	[smem:$0x3F89] =	sst lr;
	_ =	strace $0xD0000000  }
0x3: {  	_ = 	snop  }
0x4: {  	_ = 	snop  }
0x5: {  	_ = 	snop  }
0x6: {  	_ = 	snop  }
0x7: {  	_ = 	snop  }
__scs_overlays_trampoline_lowered:
0x8: {  	[smem:$0x3F98] =	sst s0  }
0x9: {  	[smem:$0x3F99] =	sst s1  }
0xa: {  	[smem:$0x3F9A] =	sst s2  }
0xb: {  	[smem:$0x3F9B] =	sst s3  }
0xc: {  	[smem:$0x3F9C] =	sst s4  }
0xd: {  	[smem:$0x3F9D] =	sst s5  }
0xe: {  	[smem:$0x3F9E] =	sst s6  }
0xf: {  	[smem:$0x3F9F] =	sst s7  }
0x10: {  	[smem:$0x3FA0] =	sst s8  }
0x11: {  	[smem:$0x3FA1] =	sst s9;
	s0 =	simm.s32 @!p0 $0x0  }
0x12: {  	s1 =	sld [smem:$0x3F87];
	s0 =	simm.s32 @p0 $0x1  }
0x13: {  	[smem:$0x3FA2] =	sst s0;
	s0 =	simm.s32 @!p1 $0x0  }
0x14: {  	s2 =	sld [smem:$0x3F86];
	s0 =	simm.s32 @p1 $0x1  }
0x15: {  	[smem:$0x3FA3] =	sst s0;
	s0 =	simm.s32 @!p2 $0x0  }
0x16: {  	s3 =	sld [smem:$0x3FDB];
	s0 =	simm.s32 @p2 $0x1  }
0x17: {  	s4 =	simm.s32 $0x1BF5;
	[smem:$0x3FA5] =	sst s0  }
0x18: {  	s0 =	sld [smem:$0x3F88];
	_ =	swait.ge [sflag:s4], $0x0  }
0x19: {  	s7 =	sld [smem:$0x3F89]  }
0x1a: {  	s8 =	sadd.s32 $0xFFFFE003, lr  }
0x1b: {  	s9 =	sadd.s32 $0xFFFFFEF7, lr;
	s5 =	simm.s32 $0xFFFFFFFF;
	p2 =	slt.u32 s8, $0xFFFFF086  }
0x1c: {  	p1 =	slt.u32 s9, $0xF7A;
	s5 =	simm.s32 @!p2 $0x0  }
0x1d: {  	s5 =	simm.s32 @p1 $0x1;
	p0 =	seq.s32 s7, s2  }
0x1e: {  	s7 =	smul.u32 @!p0 $0xF7A, s2;
	p2 =	seq.s32 @!p0 s5, $0x0  }
0x1f: {  	s9 =	smul.u32 $0xF7A, s1;
	s8 =	simm.s32 @!p0 $0x1BF5;
	p2 =	por !p2, p0  }
0x20: {  	[sflag:s8] =	ssyncset.s32 @!p0 $0xFFFFF086;
	s6 =	sadd.s32 @!p0 s3, s7;
	s7 =	simm.s32 @!p0 $0x108  }
0x21: {  	s3 =	sadd.s32 s3, s9;
	s6 =	sadd.s32 @!p0 $0x88, s6;
	s7 =	simm.s32 @p2 $0x1082  }
0x22: {  	[simem:s7], [sflag:s8] =	dma.local @!p0 [hbm:s6], $0xF7A  }
0x23: {  	s9 =	sor.u32 $0xD0000000, s2;
	s6 =	simm.s32 $0x108;
	_ =	swait.ge @!p0 [sflag:s8], $0x0  }
0x24: {  	s3 =	sadd.s32 $0x88, s3;
	s6 =	simm.s32 @!p1 $0x1082;
	[sflag:s4] =	ssyncset.s32 $0xFFFFF086  }
0x25: {  	[simem:s6], [sflag:s4] =	dma.local [hbm:s3], $0xF7A  }
0x26: {  	[smem:$0x3F89] =	sst s1;
	(tag) =	ssettag s2;
	_ =	strace s9  }
0x27: {  	s1 =	sld [smem:$0x3F99]  }
0x28: {  	s2 =	sld [smem:$0x3F9A]  }
0x29: {  	s4 =	sld [smem:$0x3F9C]  }
0x2a: {  	p0 =	seq.s32 s5, $0x0;
	s5 =	sld [smem:$0x3F9D]  }
0x2b: {  	s6 =	sld [smem:$0x3F9E]  }
0x2c: {  	s7 =	sld [smem:$0x3F9F]  }
0x2d: {  	s3 =	simm.s32 $0x108;
	s8 =	sld [smem:$0x3FA0]  }
0x2e: {  	s3 =	simm.s32 @!p0 $0x1082;
	s9 =	sld [smem:$0x3FA1]  }
0x2f: {  	lr =	sadd.s32 s0, s3;
	s0 =	sld [smem:$0x3F98]  }
0x30: {  	s3 =	sld [smem:$0x3F9B]  }
0x31: {  	[smem:$0x3FA4] =	sst s10  }
0x32: {  	s10 =	sld [smem:$0x3FA2];
	_ =	sdelay $0x3  }
0x33: {  	p0 =	seq.s32 s10, $0x1;
	s10 =	sld [smem:$0x3FA4];
	_ =	sdelay $0x3  }
0x34: {  	[smem:$0x3FA4] =	sst s10  }
0x35: {  	s10 =	sld [smem:$0x3FA3];
	_ =	sdelay $0x3  }
0x36: {  	p1 =	seq.s32 s10, $0x1;
	s10 =	sld [smem:$0x3FA4];
	_ =	sdelay $0x3  }
0x37: {  	[smem:$0x3FA4] =	sst s10  }
0x38: {  	s10 =	sld [smem:$0x3FA5]  }
0x39: {  	_ = 	snop;
	(pc) =	sbr.ind lr, $3  }
0x3a: {  	_ = 	snop  }
0x3b: {  	_ = 	snop  }
0x3c: {  	p2 =	seq.s32 s10, $0x1;
	s10 =	sld [smem:$0x3FA4]  }
0x3d: {  	_ =	shalt  }
0x3e: {  	_ =	shalt  }
0x3f: {  	_ =	shalt  }
0x40: {  	_ =	shalt  }
0x41: {  	_ =	shalt  }
0x42: {  	_ =	shalt  }
0x43: {  	_ =	shalt  }
0x44: {  	_ =	shalt  }
0x45: {  	_ =	shalt  }
0x46: {  	_ =	shalt  }
0x47: {  	_ =	shalt  }
0x48: {  	_ =	shalt  }
0x49: {  	_ =	shalt  }
0x4a: {  	_ =	shalt  }
0x4b: {  	_ =	shalt  }
0x4c: {  	_ =	shalt  }
0x4d: {  	_ =	shalt  }
0x4e: {  	_ =	shalt  }
0x4f: {  	_ =	shalt  }
0x50: {  	_ =	shalt  }
0x51: {  	_ =	shalt  }
0x52: {  	_ =	shalt  }
0x53: {  	_ =	shalt  }
0x54: {  	_ =	shalt  }
0x55: {  	_ =	shalt  }
0x56: {  	_ =	shalt  }
0x57: {  	_ =	shalt  }
0x58: {  	_ =	shalt  }
0x59: {  	_ =	shalt  }
0x5a: {  	_ =	shalt  }
0x5b: {  	_ =	shalt  }
0x5c: {  	_ =	shalt  }
0x5d: {  	_ =	shalt  }
0x5e: {  	_ =	shalt  }
0x5f: {  	_ =	shalt  }
0x60: {  	_ =	shalt  }
0x61: {  	_ =	shalt  }
0x62: {  	_ =	shalt  }
0x63: {  	_ =	shalt  }
0x64: {  	_ =	shalt  }
0x65: {  	_ =	shalt  }
0x66: {  	_ =	shalt  }
0x67: {  	_ =	shalt  }
0x68: {  	_ =	shalt  }
0x69: {  	_ =	shalt  }
0x6a: {  	_ =	shalt  }
0x6b: {  	_ =	shalt  }
0x6c: {  	_ =	shalt  }
0x6d: {  	_ =	shalt  }
0x6e: {  	_ =	shalt  }
0x6f: {  	_ =	shalt  }
0x70: {  	_ =	shalt  }
0x71: {  	_ =	shalt  }
0x72: {  	_ =	shalt  }
0x73: {  	_ =	shalt  }
0x74: {  	_ =	shalt  }
0x75: {  	_ =	shalt  }
0x76: {  	_ =	shalt  }
0x77: {  	_ =	shalt  }
0x78: {  	_ =	shalt  }
0x79: {  	_ =	shalt  }
0x7a: {  	_ =	shalt  }
0x7b: {  	_ =	shalt  }
0x7c: {  	_ =	shalt  }
0x7d: {  	_ =	shalt  }
0x7e: {  	_ =	shalt  }
0x7f: {  	_ =	shalt  }
0x80: {  	_ =	shalt  }
0x81: {  	_ =	shalt  }
0x82: {  	_ =	shalt  }
0x83: {  	_ =	shalt  }
0x84: {  	_ =	shalt  }
0x85: {  	_ =	shalt  }
0x86: {  	_ =	shalt  }
0x87: {  	_ =	shalt  }
.Lfunc_end0:
.L_simem_size_0:
called_computation_lowered:
.L_overlay_start_0:
0x88: {  	s2 =	sld [smem:$0x3FD9]  }
0x89: {  	s3 =	sld [smem:$0x3FFE];
	_ =	sdelay $0x1  }
0x8a: {  	s1 =	srdreg.scid  }
0x8b: {  	s0 =	sand.u32 $0x1, s1  }
0x8c: {  	s14 =	sshll.u32 s0, $0xA;
	s2 =	sadd.s32 s3, s2  }
0x8d: {  	s2 =	sadd.s32 s2, s14  }
0x8e: {  	[smem:$0x3FB0] =	sst s2  }
0x8f: {  	_ = 	snop  }
0x90: {  	s2 =	sld [smem:$0x3FD0];
	_ =	sdelay $0x2  }
0x91: {  	s4 =	simm.s32 $0xA;
	s5 =	simm.s32 $0x10;
	s15 =	sld [smem:$0x3FC0]  }
0x92: {  	[smem:s5], [sflag:s4] =	dma.local [hbm:s2], $0x1  }
0x93: {  	_ =	swait.eq [sflag:s4], $0x1  }
0x94: {  	[sflag:s4] =	ssyncset.done $0x0  }
0x95: {  	[sflag:s4] =	ssyncadd.s32 $0xFFFFFFFF  }
0x96: {  	s16 =	sld [smem:$0x10];
	(tm) =	ssettm $0x1  }
0x97: {  	s17 =	sld [smem:$0x3FFB];
	_ =	sdelay $0x3  }
0x98: {  	_ =	strace s17  }
0x99: {  	s4 =	sld [smem:$0x3FFC];
	_ =	sdelay $0x3  }
0x9a: {  	_ =	strace s4  }
0x9b: {  	s4 =	sld [smem:$0x3FFD];
	_ =	sdelay $0x3  }
0x9c: {  	_ =	strace s4  }
0x9d: {  	_ =	strace $0x8FFFFFFF  }
0x9e: {  	s18 =	sld [smem:$0x3FDB];
	_ =	sdelay $0x1  }
0x9f: {  	s19 =	simm.s32 $_scs_section_size  }
0xa0: {  	s6 =	simm.s32 $_size__tile_overlayer_lowered;
	s7 =	simm.s32 $_tile_overlayer_lowered  }
0xa1: {  	s22 =	simm.s32 $0x1BFF;
	s21 =	sshll.u32 s7, $0x1;
	s4 =	sadd.s32 s19, s18  }
0xa2: {  	s8 =	simm.s32 $0x0;
	s20 =	sshll.u32 s6, $0x1;
	s6 =	sadd.s32 s21, s4  }
0xa3: {  	[timem:s8], [sflag:s22] =	dma.local [hbm:s6], s20  }
0xa4: {  	_ =	swait.ge [sflag:s22], s20  }
0xa5: {  	s5 =	ssub.s32 $0x0, s20;
	[sflag:s22] =	ssyncset.done $0x0  }
0xa6: {  	[sflag:s22] =	ssyncadd.s32 s5;
	_ =	sdelay $0x1  }
0xa7: {  	s23 =	simm.s32 $0x1B8B  }
0xa8: {  	_ =	swait.ge [sflag:s23], $0x1  }
0xa9: {  	[sflag:s23] =	ssyncset.done $0x0  }
0xaa: {  	s25 =	simm.s32 $0x1B8E;
	s24 =	sld [smem:$0x3FFE];
	[sflag:s23] =	ssyncadd.s32 $0xFFFFFFFF  }
0xab: {  	s26 =	simm.s32 $execute0_lowered;
	[smem:$0x3FD2] =	sst s25  }
0xac: {  	s6 =	sshll.u32 s26, $0x1;
	_ =	strace $0x80000046;
	[dreg:$0x1] =	wrdreg $0xFFFFFFFF  }
0xad: {  	s28 =	simm.s32 $_size_execute0_lowered;
	s4 =	sadd.s32 s4, s6;
	[dreg:$0x0] =	wrdreg $0x0  }
0xae: {  	s6 =	sshll.u32 s28, $0x1;
	[dreg:$0x2] =	wrdreg s4  }
0xaf: {  	[dreg:$0x3] =	wrdreg s6  }
0xb0: {  	[dreg:$0x4] =	wrdreg $0xC0  }
0xb1: {  	_ =	task [dreg:s8], $0x5FFFF  }
0xb2: {  	[dreg:$0x1] =	wrdreg $0xFFFFFFFF  }
0xb3: {  	[dreg:$0x0] =	wrdreg $0x60  }
0xb4: {  	[dreg:$0x2] =	wrdreg s24  }
0xb5: {  	[dreg:$0x3] =	wrdreg s15  }
0xb6: {  	[dreg:$0x4] =	wrdreg s16  }
0xb7: {  	[dreg:$0x5] =	wrdreg $0x9  }
0xb8: {  	_ =	task.clear_ibuf [dreg:s8], $0x6FFFF;
	_ =	strace $0x90000046  }
0xb9: {  	s29 =	simm.s32 $0x9;
	_ =	strace $0x80000048  }
0xba: {  	_ =	swait.ge [sflag:s29], $0x1  }
0xbb: {  	[sflag:s29] =	ssyncadd.s32 $0xFFFFFFFF  }
0xbc: {  	_ =	strace $0x90000048  }
0xbd: {  	_ =	sfence  }
0xbe: {  	s30 =	sld [smem:$0x0];
	_ =	sdelay $0x2  }
0xbf: {  	s31 =	sshll.u32 s1, $0xD;
	s1 =	sshrl.u32 s1, $0x2  }
0xc0: {  	s3 =	sand.u32 $0x4000, s31;
	s1 =	sadd.s32 s1, s30  }
0xc1: {  	s0 =	sor.u32 s3, s0;
	s1 =	sshll.u32 s1, $0x11  }
0xc2: {  	s0 =	sor.u32 s1, s0  }
0xc3: {  	s0 =	sadd.s32 $0x8F2B, s0  }
0xc4: {  	[sflag:s0] =	ssyncadd.remote.s32 $0x1  }
0xc5: {  	_ =	sfence.sel $0xFFFF  }
0xc6: {  	[dreg:$0x0] =	wrdreg $0xFFFFFFFF;
	(pc) =	sbr.abs _section_cstart, $3  }
0xc7: {  	[dreg:$0x1] =	wrdreg $0xFFFFFFFF  }
0xc8: {  	_ =	task.clear_ibuf [dreg:s8], $0x2FFFF;
	_ =	strace $0x9FFFFFFF  }
0xc9: {  	(tm) =	ssettm $0x7FFFFFFF  }
tec
execute0_lowered:
.L_overlay_start_1:
0x0: {  	(tag) =	ssettag $0x1  }
0x1: {  	s0 =	srdreg.scid;
	s2 =	stileid.u32  }
0x2: {  	s1 =	rddreg [dreg:$0x0];
	s4 =	simm.s32 $0x0;
	s11 =	simm.s32 $0x7  }
0x3: {  	s12 =	simm.s32 $0x1900;
	s13 =	simm.s32 $0x80;
	s14 =	simm.s32 $0x3200  }
0x4: {  	s15 =	simm.s32 $0x7200;
	s16 =	simm.s32 $0xF200;
	s17 =	simm.s32 $0x1980  }
0x5: {  	s18 =	simm.s32 $0x13200;
	s19 =	simm.s32 $0x1;
	s20 =	simm.s32 $0x2  }
0x6: {  	s21 =	simm.s32 $0xB200;
	s22 =	simm.s32 $0x4;
	s23 =	simm.s32 $0x5  }
0x7: {  	s24 =	simm.s32 $0x17200;
	s0 =	sand.u32 $0x1, s0;
	s3 =	sshll.u32 s2, $0x1  }
0x8: {  	s25 =	simm.s32 $0x3;
	s26 =	simm.s32 $0x6;
	s8 =	sor.u32 s0, s3  }
0x9: {  	s28 =	simm.s32 $0x0;
	s2 =	rddreg [dreg:$0x1];
	s9 =	smul.u32 $0x1900, s8  }
.Ltmp0:
0xa: {  	[smem:$0x7FF] =	sst s4;
	s0 =	ssub.s32 $0x2, s0;
	(pc) =	sbr.rel .LBB2_1-.Ltmp0, $4  }
0xb: {  	s3 =	rddreg [dreg:$0x2];
	_ =	strace $0x80000047;
	s6 =	sshrl.u32 s0, $0x1  }
0xc: {  	s8 =	smul.u32 $0xC8000, s8;
	s0 =	ssub.s32 s0, s6;
	s5 =	sshrl.u32 s9, $0x3  }
0xd: {  	s9 =	sor.u32 $0x80, s9;
	s10 =	smax.u32 s0, $0x1;
	s7 =	sadd.s32 s5, s1  }
0xe: {  	s5 =	sadd.s32 $0x12000, s1;
	s6 =	sadd.s32 $0x31600, s7;
	s7 =	sadd.s32 $0x3C00, s7  }
.LBB2_8:
0xf: {  	s28 =	sadd.s32 $0x1, s28  }
0x10: {  	_ =	swait.ge [sflag:s25], $0x4000;
	p0 =	sne.s32 s28, s10  }
.Ltmp1:
0x11: {  	[sflag:s25] =	ssyncset.done $0x0;
	(pc) =	sbr.rel @!p0 .LBB2_9-.Ltmp1, $4  }
0x12: {  	[sflag:s25] =	ssyncadd.s32 $0xFFFFC000  }
0x13: {  	_ =	swait.ge [sflag:s26], $0x4000  }
0x14: {  	[sflag:s26] =	ssyncset.done $0x0  }
0x15: {  	[sflag:s26] =	ssyncadd.s32 $0xFFFFC000  }
.LBB2_1:
0x16: {  	[tilespmem:s4], [sflag:$0x7] =	stream.linear.gather [hbm4b:s6+s4], $0x1900, $0x38;
	[tilespmem:$0x1B200] =	vst v63  }
0x17: {  	_ =	swait.ge [sflag:s11], $0x1900  }
0x18: {  	[sflag:s11] =	ssyncset.done $0x0  }
0x19: {  	[sflag:s11] =	ssyncadd.s32 $0xFFFFE700  }
0x1a: {  	[tilespmem:s12], [sflag:$0x7] =	stream.linear.gather [hbm4b:s7+s4], $0x1900, $0x38;
	[tilespmem:$0x1B200] =	vst v63  }
0x1b: {  	_ =	swait.ge [sflag:s11], $0x1900  }
0x1c: {  	[sflag:s11] =	ssyncset.done $0x0  }
0x1d: {  	[sflag:s11] =	ssyncadd.s32 $0xFFFFE700  }
0x1e: {  	[tilespmem:s14], [sflag:$0x1] =	stream.indirect.gather [hbm4b:s5+s13], $0x80, s4, s13, $0xb8;
	[tilespmem:$0x1B200] =	vst v63  }
0x1f: {  	_ = 	snop  }
0x20: {  	[tilespmem:s15], [sflag:$0x2] =	stream.indirect.gather [hbm4b:s2+s13], $0x80, s12, s13, $0xb8;
	[tilespmem:$0x1B200] =	vst v63  }
0x21: {  	_ = 	snop  }
0x22: {  	[tilespmem:s16], [sflag:$0x4] =	stream.indirect.gather [hbm4b:s5+s13], $0x80, s13, s13, $0xb8;
	[tilespmem:$0x1B200] =	vst v63  }
0x23: {  	s29 =	simm.s32 $0x0  }
0x24: {  	[tilespmem:s18], [sflag:$0x5] =	stream.indirect.gather [hbm4b:s2+s13], $0x80, s17, s13, $0xb8;
	[tilespmem:$0x1B200] =	vst v63  }
.LBB2_2:
0x25: {  	_ =	swait.ge [sflag:s19], $0x4000  }
0x26: {  	[sflag:s19] =	ssyncset.done $0x0  }
0x27: {  	[sflag:s19] =	ssyncadd.s32 $0xFFFFC000  }
0x28: {  	_ =	swait.ge [sflag:s20], $0x4000  }
0x29: {  	p0 =	seq.s32 s29, $0x0;
	[sflag:s20] =	ssyncset.done $0x0  }
0x2a: {  	s0 =	simm.s32 @!p0 $0x3;
	[sflag:s20] =	ssyncadd.s32 $0xFFFFC000  }
0x2b: {  	_ =	swait.ge @!p0 [sflag:s0], $0x4000  }
0x2c: {  	[sflag:s0] =	ssyncset.done @!p0 $0x0  }
0x2d: {  	s31 =	simm.s32 $0x0;
	[sflag:s0] =	ssyncadd.s32 @!p0 $0xFFFFC000  }
0x2e: {  	v0 =	vld [tilespmem:s31+$0x3270]  }
0x2f: {  	v1 =	vld [tilespmem:s31+$0x7270]  }
0x30: {  	v2 =	vld [tilespmem:s31+$0x3200]  }
0x31: {  	v3 =	vld [tilespmem:s31+$0x7200]  }
0x32: {  	v4 =	vld [tilespmem:s31+$0x3210]  }
0x33: {  	v5 =	vld [tilespmem:s31+$0x7210]  }
0x34: {  	v6 =	vld [tilespmem:s31+$0x3220]  }
0x35: {  	v7 =	vld [tilespmem:s31+$0x3230]  }
0x36: {  	v0 =	vadd.f32 v1, v0;
	v1 =	vld [tilespmem:s31+$0x7220]  }
0x37: {  	v8 =	vld [tilespmem:s31+$0x7230]  }
0x38: {  	v9 =	vld [tilespmem:s31+$0x7240];
	v2 =	vadd.f32 v3, v2  }
0x39: {  	[tilespmem:s31+$0xB270] =	vst v0;
	v0 =	vadd.f32 v5, v4;
	v5 =	vld [tilespmem:s31+$0x3240]  }
0x3a: {  	v3 =	vld [tilespmem:s31+$0x7250];
	[tilespmem:s31+$0xB200] =	vst v2  }
0x3b: {  	v2 =	vld [tilespmem:s31+$0x3250];
	[tilespmem:s31+$0xB210] =	vst v0;
	v0 =	vadd.f32 v1, v6  }
0x3c: {  	v4 =	vld [tilespmem:s31+$0x7260];
	v6 =	vadd.f32 v8, v7  }
0x3d: {  	s1 =	simm.s32 $0x80;
	[tilespmem:s31+$0xB220] =	vst v0;
	v0 =	vld [tilespmem:s31+$0x3260]  }
0x3e: {  	s30 =	sshll.u32 s29, $0x8;
	s0 =	simm.s32 $0x400;
	v5 =	vadd.f32 v9, v5;
	v1 =	vld [tilespmem:s1+$0x3270];
	[tilespmem:s31+$0xB230] =	vst v6  }
.LBB2_3:
0x3f: {  	p1 =	sne.s32 s0, $0xFE00;
	v6 =	vld [tilespmem:s1+$0x7270]  }
0x40: {  	v7 =	vld [tilespmem:s1+$0x3200];
	[tilespmem:s31+$0xB240] =	vst v5;
	v2 =	vadd.f32 v3, v2  }
0x41: {  	v3 =	vld [tilespmem:s1+$0x7200]  }
0x42: {  	v5 =	vld [tilespmem:s1+$0x3210];
	[tilespmem:s31+$0xB250] =	vst v2;
	v0 =	vadd.f32 v4, v0  }
0x43: {  	v2 =	vld [tilespmem:s1+$0x7210]  }
0x44: {  	v4 =	vld [tilespmem:s1+$0x3220];
	v1 =	vadd.f32 v6, v1;
	[tilespmem:s31+$0xB260] =	vst v0;
	s31 =	smov.u32 s1  }
0x45: {  	v0 =	vld [tilespmem:s31+$0x7220]  }
0x46: {  	v3 =	vadd.f32 v3, v7;
	v6 =	vld [tilespmem:s31+$0x3230];
	[tilespmem:s31+$0xB270] =	vst v1  }
0x47: {  	v1 =	vld [tilespmem:s31+$0x7230]  }
0x48: {  	[tilespmem:s31+$0xB200] =	vst v3;
	v2 =	vadd.f32 v2, v5;
	v5 =	vld [tilespmem:s31+$0x3240]  }
0x49: {  	v7 =	vld [tilespmem:s31+$0x7240]  }
.Ltmp2:
0x4a: {  	[tilespmem:s31+$0xB210] =	vst v2;
	v0 =	vadd.f32 v0, v4;
	v2 =	vld [tilespmem:s31+$0x3250];
	(pc) =	sbr.rel @p1 .LBB2_3-.Ltmp2, $4  }
0x4b: {  	v3 =	vld [tilespmem:s31+$0x7250]  }
0x4c: {  	[tilespmem:s31+$0xB220] =	vst v0;
	v6 =	vadd.f32 v1, v6;
	v0 =	vld [tilespmem:s31+$0x3260]  }
0x4d: {  	s1 =	sshra.s32 s0, $0x2;
	v4 =	vld [tilespmem:s31+$0x7260]  }
0x4e: {  	s0 =	sadd.s32 $0x200, s0;
	v1 =	vld [tilespmem:s1+$0x3270];
	[tilespmem:s31+$0xB230] =	vst v6;
	v5 =	vadd.f32 v7, v5  }
0x4f: {  	v6 =	vld [tilespmem:s1+$0x7270]  }
0x50: {  	v7 =	vld [tilespmem:s1+$0x3200];
	[tilespmem:s31+$0xB240] =	vst v5;
	v2 =	vadd.f32 v3, v2  }
0x51: {  	v3 =	vld [tilespmem:s1+$0x7200]  }
0x52: {  	v5 =	vld [tilespmem:s1+$0x3210];
	[tilespmem:s31+$0xB250] =	vst v2;
	v0 =	vadd.f32 v4, v0  }
0x53: {  	v2 =	vld [tilespmem:s1+$0x7210]  }
0x54: {  	v4 =	vld [tilespmem:s1+$0x3220];
	[tilespmem:s31+$0xB260] =	vst v0  }
0x55: {  	v0 =	vadd.f32 v6, v1;
	v1 =	vld [tilespmem:s1+$0x7220]  }
0x56: {  	v6 =	vld [tilespmem:s1+$0x3230]  }
0x57: {  	v3 =	vadd.f32 v3, v7;
	[tilespmem:s1+$0xB270] =	vst v0;
	v0 =	vld [tilespmem:s1+$0x7230]  }
0x58: {  	v7 =	vld [tilespmem:s1+$0x7260]  }
0x59: {  	[tilespmem:s1+$0xB200] =	vst v3;
	v2 =	vadd.f32 v2, v5;
	v3 =	vld [tilespmem:s1+$0x3240]  }
0x5a: {  	v5 =	vld [tilespmem:s1+$0x7240]  }
0x5b: {  	[tilespmem:s1+$0xB210] =	vst v2;
	v1 =	vadd.f32 v1, v4;
	v2 =	vld [tilespmem:s1+$0x3250]  }
0x5c: {  	v4 =	vld [tilespmem:s1+$0x7250]  }
0x5d: {  	[tilespmem:s1+$0xB220] =	vst v1;
	v1 =	vld [tilespmem:s1+$0x3260];
	_ =	sdelay $0x1  }
0x5e: {  	v0 =	vadd.f32 v0, v6  }
0x5f: {  	v3 =	vadd.f32 v5, v3  }
0x60: {  	s0 =	sshll.u32 s29, $0xF;
	[tilespmem:s1+$0xB230] =	vst v0;
	v0 =	vadd.f32 v4, v2  }
0x61: {  	s0 =	sadd.s32 s8, s0;
	[tilespmem:s1+$0xB240] =	vst v3;
	v1 =	vadd.f32 v7, v1  }
0x62: {  	s0 =	sshrl.u32 s0, $0x3;
	[tilespmem:s1+$0xB250] =	vst v0  }
0x63: {  	p1 =	seq.s32 s29, $0x18;
	s0 =	sadd.s32 s3, s0;
	[tilespmem:s1+$0xB260] =	vst v1  }
0x64: {  	[hbm4b:s0+s4] =	stream.linear.scatter [tilespmem:s21], [sflag:$0x3], $0x4000, $0x38;
	[tilespmem:$0x1B200] =	vst v63  }
0x65: {  	s31 =	simm.s32 @!p1 $0x3200;
	s1 =	simm.s32 @!p1 $0x80;
	s0 =	sadd.s32 @!p1 $0x100, s30  }
0x66: {  	[tilespmem:s31], [sflag:$0x1] =	stream.indirect.gather @!p1 [hbm4b:s5+s1], $0x80, s0, s1, $0xb8;
	[tilespmem:$0x1B200] =	vst v63  }
0x67: {  	s0 =	sadd.s32 @!p1 $0x1A00, s30;
	s31 =	simm.s32 @!p1 $0x7200  }
0x68: {  	[tilespmem:s31], [sflag:$0x2] =	stream.indirect.gather @!p1 [hbm4b:s2+s1], $0x80, s0, s1, $0xb8;
	[tilespmem:$0x1B200] =	vst v63  }
0x69: {  	_ =	swait.ge [sflag:s22], $0x4000  }
0x6a: {  	[sflag:s22] =	ssyncset.done $0x0  }
0x6b: {  	[sflag:s22] =	ssyncadd.s32 $0xFFFFC000  }
0x6c: {  	_ =	swait.ge [sflag:s23], $0x4000  }
0x6d: {  	[sflag:s23] =	ssyncset.done $0x0  }
0x6e: {  	s0 =	simm.s32 @!p0 $0x6;
	[sflag:s23] =	ssyncadd.s32 $0xFFFFC000  }
0x6f: {  	_ =	swait.ge @!p0 [sflag:s0], $0x4000  }
0x70: {  	[sflag:s0] =	ssyncset.done @!p0 $0x0  }
0x71: {  	s31 =	simm.s32 $0x0;
	[sflag:s0] =	ssyncadd.s32 @!p0 $0xFFFFC000  }
0x72: {  	v0 =	vld [tilespmem:s31+$0xF270]  }
0x73: {  	v1 =	vld [tilespmem:s31+$0x13270]  }
0x74: {  	v2 =	vld [tilespmem:s31+$0xF200]  }
0x75: {  	v3 =	vld [tilespmem:s31+$0x13200]  }
0x76: {  	v4 =	vld [tilespmem:s31+$0xF210]  }
0x77: {  	v5 =	vld [tilespmem:s31+$0x13210]  }
0x78: {  	v6 =	vld [tilespmem:s31+$0xF220]  }
0x79: {  	v7 =	vld [tilespmem:s31+$0xF230]  }
0x7a: {  	v0 =	vadd.f32 v1, v0;
	v1 =	vld [tilespmem:s31+$0x13220]  }
0x7b: {  	v8 =	vld [tilespmem:s31+$0x13230]  }
0x7c: {  	v9 =	vld [tilespmem:s31+$0x13240];
	v2 =	vadd.f32 v3, v2  }
0x7d: {  	[tilespmem:s31+$0x17270] =	vst v0;
	v0 =	vadd.f32 v5, v4;
	v5 =	vld [tilespmem:s31+$0xF240]  }
0x7e: {  	v3 =	vld [tilespmem:s31+$0x13250];
	[tilespmem:s31+$0x17200] =	vst v2  }
0x7f: {  	v2 =	vld [tilespmem:s31+$0xF250];
	[tilespmem:s31+$0x17210] =	vst v0;
	v0 =	vadd.f32 v1, v6  }
0x80: {  	v4 =	vld [tilespmem:s31+$0x13260];
	v6 =	vadd.f32 v8, v7  }
0x81: {  	s1 =	simm.s32 $0x80;
	[tilespmem:s31+$0x17220] =	vst v0;
	v0 =	vld [tilespmem:s31+$0xF260]  }
0x82: {  	s0 =	simm.s32 $0x400;
	v5 =	vadd.f32 v9, v5;
	v1 =	vld [tilespmem:s1+$0xF270];
	[tilespmem:s31+$0x17230] =	vst v6  }
.LBB2_5:
0x83: {  	p0 =	sne.s32 s0, $0xFE00;
	v6 =	vld [tilespmem:s1+$0x13270]  }
0x84: {  	v7 =	vld [tilespmem:s1+$0xF200];
	[tilespmem:s31+$0x17240] =	vst v5;
	v2 =	vadd.f32 v3, v2  }
0x85: {  	v3 =	vld [tilespmem:s1+$0x13200]  }
0x86: {  	v5 =	vld [tilespmem:s1+$0xF210];
	[tilespmem:s31+$0x17250] =	vst v2;
	v0 =	vadd.f32 v4, v0  }
0x87: {  	v2 =	vld [tilespmem:s1+$0x13210]  }
0x88: {  	v4 =	vld [tilespmem:s1+$0xF220];
	v1 =	vadd.f32 v6, v1;
	[tilespmem:s31+$0x17260] =	vst v0;
	s31 =	smov.u32 s1  }
0x89: {  	v0 =	vld [tilespmem:s31+$0x13220]  }
0x8a: {  	v3 =	vadd.f32 v3, v7;
	v6 =	vld [tilespmem:s31+$0xF230];
	[tilespmem:s31+$0x17270] =	vst v1  }
0x8b: {  	v1 =	vld [tilespmem:s31+$0x13230]  }
0x8c: {  	[tilespmem:s31+$0x17200] =	vst v3;
	v2 =	vadd.f32 v2, v5;
	v5 =	vld [tilespmem:s31+$0xF240]  }
0x8d: {  	v7 =	vld [tilespmem:s31+$0x13240]  }
.Ltmp3:
0x8e: {  	[tilespmem:s31+$0x17210] =	vst v2;
	v0 =	vadd.f32 v0, v4;
	v2 =	vld [tilespmem:s31+$0xF250];
	(pc) =	sbr.rel @p0 .LBB2_5-.Ltmp3, $4  }
0x8f: {  	v3 =	vld [tilespmem:s31+$0x13250]  }
0x90: {  	[tilespmem:s31+$0x17220] =	vst v0;
	v6 =	vadd.f32 v1, v6;
	v0 =	vld [tilespmem:s31+$0xF260]  }
0x91: {  	s1 =	sshra.s32 s0, $0x2;
	v4 =	vld [tilespmem:s31+$0x13260]  }
0x92: {  	s0 =	sadd.s32 $0x200, s0;
	v1 =	vld [tilespmem:s1+$0xF270];
	[tilespmem:s31+$0x17230] =	vst v6;
	v5 =	vadd.f32 v7, v5  }
0x93: {  	v6 =	vld [tilespmem:s1+$0x13270]  }
0x94: {  	v7 =	vld [tilespmem:s1+$0xF200];
	[tilespmem:s31+$0x17240] =	vst v5;
	v2 =	vadd.f32 v3, v2  }
0x95: {  	v51 =	vld [tilespmem:s1+$0x13200]  }
0x96: {  	v5 =	vld [tilespmem:s1+$0xF210];
	[tilespmem:s31+$0x17250] =	vst v2;
	v0 =	vadd.f32 v4, v0  }
0x97: {  	v2 =	vld [tilespmem:s1+$0x13210]  }
0x98: {  	v52 =	vld [tilespmem:s1+$0xF220];
	[tilespmem:s31+$0x17260] =	vst v0  }
0x99: {  	v54 =	vld [tilespmem:s1+$0x13220]  }
0x9a: {  	v55 =	vld [tilespmem:s1+$0xF230]  }
0x9b: {  	v56 =	vld [tilespmem:s1+$0x13230]  }
0x9c: {  	v57 =	vld [tilespmem:s1+$0xF240]  }
0x9d: {  	v58 =	vld [tilespmem:s1+$0x13240]  }
0x9e: {  	v59 =	vld [tilespmem:s1+$0xF250]  }
0x9f: {  	v53 =	vadd.f32 v6, v1;
	v60 =	vld [tilespmem:s1+$0x13250]  }
0xa0: {  	v61 =	vld [tilespmem:s1+$0xF260];
	v3 =	vadd.f32 v51, v7  }
0xa1: {  	v62 =	vld [tilespmem:s1+$0x13260];
	[tilespmem:s1+$0x17270] =	vst v53;
	v2 =	vadd.f32 v2, v5  }
0xa2: {  	[tilespmem:s1+$0x17200] =	vst v3;
	v1 =	vadd.f32 v54, v52  }
0xa3: {  	[tilespmem:s1+$0x17210] =	vst v2;
	v0 =	vadd.f32 v56, v55  }
0xa4: {  	v3 =	vadd.f32 v58, v57;
	[tilespmem:s1+$0x17220] =	vst v1  }
.Ltmp4:
0xa5: {  	v63 =	vadd.f32 v60, v59;
	[tilespmem:s1+$0x17230] =	vst v0;
	(pc) =	sbr.rel @p1 .LBB2_8-.Ltmp4, $4  }
0xa6: {  	s0 =	sadd.s32 s30, s9;
	[tilespmem:s1+$0x17240] =	vst v3;
	v1 =	vadd.f32 v62, v61  }
0xa7: {  	s0 =	sshll.u32 s0, $0x4;
	[tilespmem:s1+$0x17250] =	vst v63  }
0xa8: {  	s0 =	sadd.s32 s3, s0;
	[tilespmem:s1+$0x17260] =	vst v1  }
0xa9: {  	[hbm4b:s0+s4] =	stream.linear.scatter [tilespmem:s24], [sflag:$0x6], $0x4000, $0x38;
	[tilespmem:$0x1B200] =	vst v63  }
.Ltmp5:
0xaa: {  	(pc) =	sbr.rel .LBB2_2-.Ltmp5, $4  }
0xab: {  	s0 =	sadd.s32 $0x180, s30  }
0xac: {  	[tilespmem:s16], [sflag:$0x4] =	stream.indirect.gather [hbm4b:s5+s13], $0x80, s0, s13, $0xb8;
	[tilespmem:$0x1B200] =	vst v63  }
0xad: {  	s31 =	sadd.s32 $0x1A80, s30;
	s29 =	sadd.s32 $0x1, s29  }
0xae: {  	[tilespmem:s18], [sflag:$0x5] =	stream.indirect.gather [hbm4b:s2+s13], $0x80, s31, s13, $0xb8;
	[tilespmem:$0x1B200] =	vst v63  }
.LBB2_9:
0xaf: {  	_ =	sfence.sel $0x180000  }
0xb0: {  	[bflag:$0x0] =	sbarrier.arrive $0xFFFF  }
0xb1: {  	_ =	strace $0x90000047  }
0xb2: {  	s0 =	stileid.u32;
	[bflag:$0x2] =	sbarrier.arrive $0xFFFF  }
0xb3: {  	p0 =	sne.s32 s0, $0x0;
	s0 =	rddreg [dreg:$0x3]  }
0xb4: {  	s0 =	sadd.s32 @!p0 $0x100000, s0  }
0xb5: {  	[sflag:s0] =	ssyncadd.tile.s32 @!p0 $0x1;
	_ =	shalt  }
.Lfunc_end2:
_tile_overlayer_lowered:
.L_overlay_start_2:
0xb6: {  	(tag) =	ssettag $0x2  }
0xb7: {  	s0 =	rddreg [dreg:$0x0];
	s2 =	stileid.u32  }
0xb8: {  	s1 =	rddreg [dreg:$0x1];
	p0 =	sne.s32 s2, $0x0  }
0xb9: {  	s3 =	rddreg [dreg:$0x2];
	[bflag:$0x3] =	sbarrier.arrive $0xFFFF;
	s2 =	simm.s32 @!p0 $0x1C07  }
0xba: {  	[timem:s3], [sflag:s2] =	dma.local @!p0 [hbm:s0], s1  }
0xbb: {  	s0 =	simm.s32 @!p0 $0x7  }
0xbc: {  	_ =	swait.ge @!p0 [sflag:s0], s1  }
0xbd: {  	s1 =	ssub.s32 @!p0 $0x0, s1;
	[sflag:s0] =	ssyncset.done @!p0 $0x0  }
0xbe: {  	[sflag:s0] =	ssyncadd.s32 @!p0 s1  }
0xbf: {  	[bflag:$0x3] =	sbarrier.arrive $0xFFFF  }
0xc0: {  	_ =	shalt  }

</sc_bundles>
